<compile_context>
chip_gen: v7x
topology: tpu7x:2x2x1
jax: 0.10.2.dev20260603
libtpu: 0.0.44.dev20260713+nightly
codegen_flags: <defaults>
</compile_context>

<pallas_src>
import functools

import jax
import jax.numpy as jnp
from jax import lax
from jax.experimental import pallas as pl
from jax.experimental.pallas import tpu as pltpu
from jax.experimental.pallas import tpu_sc as plsc

NC = 2
NS = 16
L = 16
NW = NC * NS


def _make_sc_scatter(N, D, E, C):
    EPW = E // NW
    NCH = EPW // C
    mesh = plsc.VectorSubcoreMesh(
        core_axis_name="c", subcore_axis_name="s",
        num_cores=NC, num_subcores=NS)
    RPT = (N // NS) // 8 * 8
    TAIL = N - NS * RPT

    @functools.partial(
        pl.kernel,
        out_type=jax.ShapeDtypeStruct((NC, N, D), jnp.float32),
        mesh=mesh,
        scratch_types=[
            pltpu.VMEM((EPW,), jnp.int32),
            pltpu.VMEM((NCH, C), jnp.int32),
            pltpu.VMEM((EPW,), jnp.float32),
            pltpu.VMEM((C, D), jnp.float32),
            pltpu.VMEM_SHARED((N, D), jnp.float32),
            pltpu.SemaphoreType.DMA,
        ],
    )
    def sc_scatter(x_hbm, src_hbm, dst_hbm, w_hbm, zeros_hbm, out_hbm,
                   src_v, dst_v, w_v, rows_v, agg_sh, sem):
        cid = lax.axis_index("c")
        sid = lax.axis_index("s")
        wid = sid * NC + cid
        base = wid * EPW
        pltpu.sync_copy(src_hbm.at[pl.ds(base, EPW)], src_v)
        pltpu.sync_copy(dst_hbm.at[wid], dst_v)
        pltpu.sync_copy(w_hbm.at[pl.ds(base, EPW)], w_v)
        pltpu.sync_copy(zeros_hbm.at[pl.ds(sid * RPT, RPT)],
                        agg_sh.at[pl.ds(sid * RPT, RPT)])
        if TAIL:
            @pl.when(sid == NS - 1)
            def _zero_tail():
                pltpu.sync_copy(zeros_hbm.at[pl.ds(NS * RPT, TAIL)],
                                agg_sh.at[pl.ds(NS * RPT, TAIL)])
        plsc.subcore_barrier()

        def chunk(j, carry):
            pltpu.async_copy(x_hbm.at[src_v.at[pl.ds(j * C, C)]],
                             rows_v, sem).wait()

            def group(g, carry2):
                w16 = w_v[pl.ds(j * C + g * L, L)]
                for l in range(L):
                    wspl = jnp.broadcast_to(w16[l], (L,))
                    e = g * L + l
                    for cg in range(D // L):
                        sl = (e, pl.ds(cg * L, L))
                        rows_v[sl] = rows_v[sl] * wspl
                return carry2

            lax.fori_loop(0, C // L, group, 0)
            pltpu.sync_copy(rows_v, agg_sh.at[dst_v.at[j]], add=True)
            return carry

        lax.fori_loop(0, NCH, chunk, 0)
        plsc.subcore_barrier()
        pltpu.sync_copy(agg_sh.at[pl.ds(sid * RPT, RPT)],
                        out_hbm.at[cid, pl.ds(sid * RPT, RPT)])
        if TAIL:
            @pl.when(sid == NS - 1)
            def _write_tail():
                pltpu.sync_copy(agg_sh.at[pl.ds(NS * RPT, TAIL)],
                                out_hbm.at[cid, pl.ds(NS * RPT, TAIL)])

    return sc_scatter


def _mlp_body(agg2_ref, w1_ref, b1_ref, w2_ref, b2_ref,
              g1_ref, be1_ref, g2_ref, be2_ref, out_ref):
    agg = agg2_ref[0] + agg2_ref[1]
    h = jnp.dot(agg, w1_ref[...], preferred_element_type=jnp.float32)
    h = h + b1_ref[...]
    mu = jnp.mean(h, axis=0, keepdims=True)
    var = jnp.mean((h - mu) * (h - mu), axis=0, keepdims=True)
    h = g1_ref[...] * (h - mu) * lax.rsqrt(var + 1e-5) + be1_ref[...]
    h = jnp.maximum(h, 0.0)
    h = jnp.dot(h, w2_ref[...], preferred_element_type=jnp.float32)
    h = h + b2_ref[...]
    mu2 = jnp.mean(h, axis=0, keepdims=True)
    var2 = jnp.mean((h - mu2) * (h - mu2), axis=0, keepdims=True)
    h = g2_ref[...] * (h - mu2) * lax.rsqrt(var2 + 1e-5) + be2_ref[...]
    out_ref[...] = jnp.maximum(h, 0.0)


def kernel(x, edge_index, edge_weight, W1, b1, W2, b2, g1, be1, g2, be2):
    N, D = x.shape
    E = edge_index.shape[1]
    C = 80
    src = edge_index[0]
    dst = edge_index[1].reshape(NW, (E // NW) // C, C)
    zeros = jnp.zeros((N, D), jnp.float32)

    agg2 = _make_sc_scatter(N, D, E, C)(x, src, dst, edge_weight, zeros)

    mlp = pl.pallas_call(
        _mlp_body,
        out_shape=jax.ShapeDtypeStruct((N, D), jnp.float32),
    )
    return mlp(agg2, W1, b1.reshape(1, D), W2, b2.reshape(1, D),
               g1.reshape(1, D), be1.reshape(1, D),
               g2.reshape(1, D), be2.reshape(1, D))

# --- scband reference (transcript-rebuilt; emitter-appended) ---
"""Pipeline reference for scband-graph-encoder-18528488914973 (READ-ONLY COPY).

The authoritative reference and input builder live on the scoring server;
editing this copy changes nothing except your own understanding.
"""

import jax, jax.numpy as jnp
import numpy as np

N, D, E = 10000, 128, 320000


def _batchnorm(h, g, b, eps=1e-5):
    mu = h.mean(axis=0)
    var = h.var(axis=0)  # biased variance, matching torch BatchNorm1d normalization
    return g * (h - mu) / jnp.sqrt(var + eps) + b


def setup_inputs(seed: int = 0) -> dict:
    key = jax.random.key(seed)
    ks = jax.random.split(key, 10)
    x = jax.random.normal(ks[0], (N, D), dtype=jnp.float32)
    edge_index = jax.random.randint(ks[1], (2, E), 0, N, dtype=jnp.int32)
    edge_weight = jax.random.uniform(ks[2], (E,), dtype=jnp.float32)
    W1 = jax.random.normal(ks[3], (D, D), dtype=jnp.float32) * (1.0 / np.sqrt(D))
    b1 = jnp.zeros((D,), dtype=jnp.float32)
    W2 = jax.random.normal(ks[4], (D, D), dtype=jnp.float32) * (1.0 / np.sqrt(D))
    b2 = jnp.zeros((D,), dtype=jnp.float32)
    g1 = jnp.ones((D,), dtype=jnp.float32)
    be1 = jnp.zeros((D,), dtype=jnp.float32)
    g2 = jnp.ones((D,), dtype=jnp.float32)
    be2 = jnp.zeros((D,), dtype=jnp.float32)
    return {"x": x, "edge_index": edge_index, "edge_weight": edge_weight,
            "W1": W1, "b1": b1, "W2": W2, "b2": b2,
            "g1": g1, "be1": be1, "g2": g2, "be2": be2}


def reference(x, edge_index, edge_weight, W1, b1, W2, b2, g1, be1, g2, be2):
    src = edge_index[0]
    dst = edge_index[1]
    # message: edge_weight * x_j (x_j = source node features)
    msg = edge_weight[:, None] * jnp.take(x, src, axis=0)
    # aggr='add': scatter-add messages onto destination nodes
    agg = jnp.zeros((N, D), dtype=x.dtype).at[dst].add(msg)
    # update: MLP = Linear -> BatchNorm1d -> ReLU -> Linear
    h = agg @ W1 + b1
    h = _batchnorm(h, g1, be1)
    h = jax.nn.relu(h)
    h = h @ W2 + b2
    # outer BatchNorm1d, dropout(p=0.0) = identity, activation = relu
    h = _batchnorm(h, g2, be2)
    h = jax.nn.relu(h)
    return h

if __name__ == "__main__":
    import jax
    _d = setup_inputs()
    print(jax.jit(kernel)(*tuple(_d.values())))

</pallas_src>

<mosaic_0001>
#map = affine_map<(d0, d1) -> (0, 0)>
#map1 = affine_map<(d0, d1) -> (0)>
#map2 = affine_map<(d0, d1) -> (0, 0, 0)>
module attributes {stable_mosaic.version = 14 : i64} {
  func.func @sc_scatter(%arg0: i32, %arg1: i32, %arg2: memref<10000x128xf32, #tpu.memory_space<hbm>>, %arg3: memref<320000xi32, #tpu.memory_space<hbm>>, %arg4: memref<32x125x80xi32, #tpu.memory_space<hbm>>, %arg5: memref<320000xf32, #tpu.memory_space<hbm>>, %arg6: memref<10000x128xf32, #tpu.memory_space<hbm>>, %arg7: memref<2x10000x128xf32, #tpu.memory_space<hbm>>, %arg8: memref<10000xi32, #tpu.memory_space<vmem>>, %arg9: memref<125x80xi32, #tpu.memory_space<vmem>>, %arg10: memref<10000xf32, #tpu.memory_space<vmem>>, %arg11: memref<80x128xf32, #tpu.memory_space<vmem>>, %arg12: memref<10000x128xf32, #tpu.memory_space<vmem_shared>>, %arg13: memref<!tpu.dma_semaphore, #tpu.memory_space<semaphore_mem>>) attributes {dimension_semantics = [#tpu.dimension_semantics<core_parallel>, #tpu.dimension_semantics<subcore_parallel>], iteration_bounds = array<i64: 2, 16>, scalar_prefetch = 0 : i64, scratch_operands = 6 : i64, tpu.core_type = #tpu.core_type<sc_vector_subcore>, window_params = [{transform_indices = #map}, {transform_indices = #map1}, {transform_indices = #map2}, {transform_indices = #map1}, {transform_indices = #map}, {transform_indices = #map2}]} {
    %mul3A = arith.constant 2 : i32
    %mul3A_0 = arith.muli %arg1, %mul3A : i32
    %add3A = arith.addi %mul3A_0, %arg0 : i32
    %mul3A_1 = arith.constant 10000 : i32
    %mul3A_2 = arith.muli %add3A, %mul3A_1 : i32
    "tpu.region"() ({
      %run_scoped3A = tpu.sem_alloc : memref<!tpu.dma_semaphore, #tpu.memory_space<semaphore_mem>>
      %dma_start3A = tpu.memref_slice %arg3[%mul3A_2] : memref<320000xi32, #tpu.memory_space<hbm>> -> memref<10000xi32, #tpu.memory_space<hbm>>
      %dma_start3A_24 = tpu.memref_slice %arg3[%mul3A_2] : memref<320000xi32, #tpu.memory_space<hbm>> -> memref<10000xi32, #tpu.memory_space<hbm>>
      tpu.enqueue_dma source(%dma_start3A_24 : memref<10000xi32, #tpu.memory_space<hbm>>) target(%arg8 : memref<10000xi32, #tpu.memory_space<vmem>>) target_semaphore(%run_scoped3A : memref<!tpu.dma_semaphore, #tpu.memory_space<semaphore_mem>>)
      %dma_wait3A = tpu.memref_slice %arg3[%mul3A_2] : memref<320000xi32, #tpu.memory_space<hbm>> -> memref<10000xi32, #tpu.memory_space<hbm>>
      %dma_wait3A_25 = tpu.memref_slice %arg3[%mul3A_2] : memref<320000xi32, #tpu.memory_space<hbm>> -> memref<10000xi32, #tpu.memory_space<hbm>>
      tpu.wait_dma2 semaphore(%run_scoped3A : memref<!tpu.dma_semaphore, #tpu.memory_space<semaphore_mem>>) src(%dma_wait3A_25 : memref<10000xi32, #tpu.memory_space<hbm>>) dst(%arg8 : memref<10000xi32, #tpu.memory_space<vmem>>)
      tpu.yield
    }) : () -> ()
    "tpu.region"() ({
      %run_scoped3A = tpu.sem_alloc : memref<!tpu.dma_semaphore, #tpu.memory_space<semaphore_mem>>
      %dma_start3A = arith.constant 0 : i32
      %dma_start3A_24 = arith.constant 0 : i32
      %dma_start3A_25 = tpu.memref_slice %arg4[%add3A, %dma_start3A, %dma_start3A_24] : memref<32x125x80xi32, #tpu.memory_space<hbm>> -> memref<1x125x80xi32, #tpu.memory_space<hbm>>
      %dma_start3A_26 = tpu.memref_squeeze %dma_start3A_25 : memref<1x125x80xi32, #tpu.memory_space<hbm>> -> memref<125x80xi32, #tpu.memory_space<hbm>>
      %dma_start3A_27 = arith.constant 0 : i32
      %dma_start3A_28 = arith.constant 0 : i32
      %dma_start3A_29 = tpu.memref_slice %arg4[%add3A, %dma_start3A_27, %dma_start3A_28] : memref<32x125x80xi32, #tpu.memory_space<hbm>> -> memref<1x125x80xi32, #tpu.memory_space<hbm>>
      %dma_start3A_30 = tpu.memref_squeeze %dma_start3A_29 : memref<1x125x80xi32, #tpu.memory_space<hbm>> -> memref<125x80xi32, #tpu.memory_space<hbm>>
      tpu.enqueue_dma source(%dma_start3A_30 : memref<125x80xi32, #tpu.memory_space<hbm>>) target(%arg9 : memref<125x80xi32, #tpu.memory_space<vmem>>) target_semaphore(%run_scoped3A : memref<!tpu.dma_semaphore, #tpu.memory_space<semaphore_mem>>)
      %dma_wait3A = arith.constant 0 : i32
      %dma_wait3A_31 = arith.constant 0 : i32
      %dma_wait3A_32 = tpu.memref_slice %arg4[%add3A, %dma_wait3A, %dma_wait3A_31] : memref<32x125x80xi32, #tpu.memory_space<hbm>> -> memref<1x125x80xi32, #tpu.memory_space<hbm>>
      %dma_wait3A_33 = tpu.memref_squeeze %dma_wait3A_32 : memref<1x125x80xi32, #tpu.memory_space<hbm>> -> memref<125x80xi32, #tpu.memory_space<hbm>>
      %dma_wait3A_34 = arith.constant 0 : i32
      %dma_wait3A_35 = arith.constant 0 : i32
      %dma_wait3A_36 = tpu.memref_slice %arg4[%add3A, %dma_wait3A_34, %dma_wait3A_35] : memref<32x125x80xi32, #tpu.memory_space<hbm>> -> memref<1x125x80xi32, #tpu.memory_space<hbm>>
      %dma_wait3A_37 = tpu.memref_squeeze %dma_wait3A_36 : memref<1x125x80xi32, #tpu.memory_space<hbm>> -> memref<125x80xi32, #tpu.memory_space<hbm>>
      tpu.wait_dma2 semaphore(%run_scoped3A : memref<!tpu.dma_semaphore, #tpu.memory_space<semaphore_mem>>) src(%dma_wait3A_37 : memref<125x80xi32, #tpu.memory_space<hbm>>) dst(%arg9 : memref<125x80xi32, #tpu.memory_space<vmem>>)
      tpu.yield
    }) : () -> ()
    "tpu.region"() ({
      %run_scoped3A = tpu.sem_alloc : memref<!tpu.dma_semaphore, #tpu.memory_space<semaphore_mem>>
      %dma_start3A = tpu.memref_slice %arg5[%mul3A_2] : memref<320000xf32, #tpu.memory_space<hbm>> -> memref<10000xf32, #tpu.memory_space<hbm>>
      %dma_start3A_24 = tpu.memref_slice %arg5[%mul3A_2] : memref<320000xf32, #tpu.memory_space<hbm>> -> memref<10000xf32, #tpu.memory_space<hbm>>
      tpu.enqueue_dma source(%dma_start3A_24 : memref<10000xf32, #tpu.memory_space<hbm>>) target(%arg10 : memref<10000xf32, #tpu.memory_space<vmem>>) target_semaphore(%run_scoped3A : memref<!tpu.dma_semaphore, #tpu.memory_space<semaphore_mem>>)
      %dma_wait3A = tpu.memref_slice %arg5[%mul3A_2] : memref<320000xf32, #tpu.memory_space<hbm>> -> memref<10000xf32, #tpu.memory_space<hbm>>
      %dma_wait3A_25 = tpu.memref_slice %arg5[%mul3A_2] : memref<320000xf32, #tpu.memory_space<hbm>> -> memref<10000xf32, #tpu.memory_space<hbm>>
      tpu.wait_dma2 semaphore(%run_scoped3A : memref<!tpu.dma_semaphore, #tpu.memory_space<semaphore_mem>>) src(%dma_wait3A_25 : memref<10000xf32, #tpu.memory_space<hbm>>) dst(%arg10 : memref<10000xf32, #tpu.memory_space<vmem>>)
      tpu.yield
    }) : () -> ()
    %mul3A_3 = arith.constant 624 : i32
    %mul3A_4 = arith.muli %arg1, %mul3A_3 : i32
    %mul3A_5 = arith.constant 624 : i32
    %mul3A_6 = arith.muli %arg1, %mul3A_5 : i32
    "tpu.region"() ({
      %run_scoped3A = tpu.sem_alloc : memref<!tpu.dma_semaphore, #tpu.memory_space<semaphore_mem>>
      %dma_start3A = arith.constant 0 : i32
      %dma_start3A_24 = tpu.memref_slice %arg12[%mul3A_6, %dma_start3A] : memref<10000x128xf32, #tpu.memory_space<vmem_shared>> -> memref<624x128xf32, #tpu.memory_space<vmem_shared>>
      %dma_start3A_25 = arith.constant 0 : i32
      %dma_start3A_26 = tpu.memref_slice %arg6[%mul3A_4, %dma_start3A_25] : memref<10000x128xf32, #tpu.memory_space<hbm>> -> memref<624x128xf32, #tpu.memory_space<hbm>>
      tpu.enqueue_dma source(%dma_start3A_26 : memref<624x128xf32, #tpu.memory_space<hbm>>) target(%dma_start3A_24 : memref<624x128xf32, #tpu.memory_space<vmem_shared>>) target_semaphore(%run_scoped3A : memref<!tpu.dma_semaphore, #tpu.memory_space<semaphore_mem>>)
      %dma_wait3A = arith.constant 0 : i32
      %dma_wait3A_27 = tpu.memref_slice %arg12[%mul3A_6, %dma_wait3A] : memref<10000x128xf32, #tpu.memory_space<vmem_shared>> -> memref<624x128xf32, #tpu.memory_space<vmem_shared>>
      %dma_wait3A_28 = arith.constant 0 : i32
      %dma_wait3A_29 = tpu.memref_slice %arg6[%mul3A_4, %dma_wait3A_28] : memref<10000x128xf32, #tpu.memory_space<hbm>> -> memref<624x128xf32, #tpu.memory_space<hbm>>
      tpu.wait_dma2 semaphore(%run_scoped3A : memref<!tpu.dma_semaphore, #tpu.memory_space<semaphore_mem>>) src(%dma_wait3A_29 : memref<624x128xf32, #tpu.memory_space<hbm>>) dst(%dma_wait3A_27 : memref<624x128xf32, #tpu.memory_space<vmem_shared>>)
      tpu.yield
    }) : () -> ()
    %eq3A = arith.constant 15 : i32
    %eq3A_7 = arith.cmpi eq, %arg1, %eq3A : i32
    %convert_element_type3A = arith.extui %eq3A_7 : i1 to i32
    %cond3A = arith.constant 0 : i32
    %cond3A_8 = arith.cmpi ne, %convert_element_type3A, %cond3A : i32
    scf.if %cond3A_8 {
      "tpu.region"() ({
        %run_scoped3A = tpu.sem_alloc : memref<!tpu.dma_semaphore, #tpu.memory_space<semaphore_mem>>
        %dma_start3A = arith.constant 9984 : i32
        %dma_start3A_24 = arith.constant 0 : i32
        %dma_start3A_25 = tpu.memref_slice %arg12[%dma_start3A, %dma_start3A_24] : memref<10000x128xf32, #tpu.memory_space<vmem_shared>> -> memref<16x128xf32, #tpu.memory_space<vmem_shared>>
        %dma_start3A_26 = arith.constant 9984 : i32
        %dma_start3A_27 = arith.constant 0 : i32
        %dma_start3A_28 = tpu.memref_slice %arg6[%dma_start3A_26, %dma_start3A_27] : memref<10000x128xf32, #tpu.memory_space<hbm>> -> memref<16x128xf32, #tpu.memory_space<hbm>>
        tpu.enqueue_dma source(%dma_start3A_28 : memref<16x128xf32, #tpu.memory_space<hbm>>) target(%dma_start3A_25 : memref<16x128xf32, #tpu.memory_space<vmem_shared>>) target_semaphore(%run_scoped3A : memref<!tpu.dma_semaphore, #tpu.memory_space<semaphore_mem>>)
        %dma_wait3A = arith.constant 9984 : i32
        %dma_wait3A_29 = arith.constant 0 : i32
        %dma_wait3A_30 = tpu.memref_slice %arg12[%dma_wait3A, %dma_wait3A_29] : memref<10000x128xf32, #tpu.memory_space<vmem_shared>> -> memref<16x128xf32, #tpu.memory_space<vmem_shared>>
        %dma_wait3A_31 = arith.constant 9984 : i32
        %dma_wait3A_32 = arith.constant 0 : i32
        %dma_wait3A_33 = tpu.memref_slice %arg6[%dma_wait3A_31, %dma_wait3A_32] : memref<10000x128xf32, #tpu.memory_space<hbm>> -> memref<16x128xf32, #tpu.memory_space<hbm>>
        tpu.wait_dma2 semaphore(%run_scoped3A : memref<!tpu.dma_semaphore, #tpu.memory_space<semaphore_mem>>) src(%dma_wait3A_33 : memref<16x128xf32, #tpu.memory_space<hbm>>) dst(%dma_wait3A_30 : memref<16x128xf32, #tpu.memory_space<vmem_shared>>)
        tpu.yield
      }) : () -> ()
    } else {
    }
    %barrier3A = arith.constant 0 : index
    tpu.barrier barrier_id(%barrier3A)
    %scan3A = arith.constant 0 : i32
    %scan3A_9 = arith.constant 0 : i32
    %scan3A_10 = arith.constant 125 : i32
    %scan3A_11 = arith.addi %scan3A_9, %scan3A_10 : i32
    %scan3A_12 = arith.constant 1 : i32
    scf.for %scan3A_24 = %scan3A_9 to %scan3A_11 step %scan3A_12  : i32 {
      %mul3A_25 = arith.constant 80 : i32
      %mul3A_26 = arith.muli %scan3A_24, %mul3A_25 : i32
      %dma_start3A = tpu.memref_slice %arg8[%mul3A_26] : memref<10000xi32, #tpu.memory_space<vmem>> -> memref<80xi32, #tpu.memory_space<vmem>>
      %dma_start3A_27 = arith.constant 0 : i32
      %dma_start3A_28 = arith.constant 0 : i32
      %dma_start3A_29 = tpu.memref_slice %arg2[%dma_start3A_27, %dma_start3A_28] : memref<10000x128xf32, #tpu.memory_space<hbm>> -> memref<10000x128xf32, #tpu.memory_space<hbm>>
      tpu.enqueue_indirect_dma source(%dma_start3A_29 : memref<10000x128xf32, #tpu.memory_space<hbm>>) target(%arg11 : memref<80x128xf32, #tpu.memory_space<vmem>>) offsets(%dma_start3A : memref<80xi32, #tpu.memory_space<vmem>>) semaphore(%arg13 : memref<!tpu.dma_semaphore, #tpu.memory_space<semaphore_mem>>)
      %dma_wait3A = tpu.memref_slice %arg8[%mul3A_26] : memref<10000xi32, #tpu.memory_space<vmem>> -> memref<80xi32, #tpu.memory_space<vmem>>
      %dma_wait3A_30 = arith.constant 0 : i32
      %dma_wait3A_31 = arith.constant 0 : i32
      %dma_wait3A_32 = tpu.memref_slice %arg2[%dma_wait3A_30, %dma_wait3A_31] : memref<10000x128xf32, #tpu.memory_space<hbm>> -> memref<10000x128xf32, #tpu.memory_space<hbm>>
      tpu.wait_indirect_dma semaphore(%arg13 : memref<!tpu.dma_semaphore, #tpu.memory_space<semaphore_mem>>) src(%dma_wait3A_32 : memref<10000x128xf32, #tpu.memory_space<hbm>>) dst(%arg11 : memref<80x128xf32, #tpu.memory_space<vmem>>)
      %scan3A_33 = arith.constant 0 : i32
      %scan3A_34 = arith.constant 0 : i32
      %scan3A_35 = arith.constant 5 : i32
      %scan3A_36 = arith.addi %scan3A_34, %scan3A_35 : i32
      %scan3A_37 = arith.constant 1 : i32
      scf.for %scan3A_39 = %scan3A_34 to %scan3A_36 step %scan3A_37  : i32 {
        %mul3A_40 = arith.constant 80 : i32
        %mul3A_41 = arith.muli %scan3A_24, %mul3A_40 : i32
        %mul3A_42 = arith.constant 16 : i32
        %mul3A_43 = arith.muli %scan3A_39, %mul3A_42 : i32
        %add3A_44 = arith.addi %mul3A_41, %mul3A_43 : i32
        %get3A = arith.index_cast %add3A_44 : i32 to index
        %get3A_45 = tpu.vector_load %arg10[%get3A] {strides = array<i32>} : memref<10000xf32, #tpu.memory_space<vmem>>, vector<16xf32>,
        %get3A_46 = vector.shape_cast %get3A_45 : vector<16xf32> to vector<16xf32>
        %slice3A = vector.extract_strided_slice %get3A_46 {offsets = [0], sizes = [1], strides = [1]} : vector<16xf32> to vector<1xf32>
        %squeeze3A = vector.extract %slice3A[0] : f32 from vector<1xf32>
        %broadcast_in_dim3A = vector.broadcast %squeeze3A : f32 to vector<16xf32>
        %mul3A_47 = arith.constant 16 : i32
        %mul3A_48 = arith.muli %scan3A_39, %mul3A_47 : i32
        %add3A_49 = arith.constant 0 : i32
        %add3A_50 = arith.addi %mul3A_48, %add3A_49 : i32
        %get3A_51 = arith.index_cast %add3A_50 : i32 to index
        %get3A_52 = arith.constant 0 : index
        %get3A_53 = tpu.vector_load %arg11[%get3A_51, %get3A_52] {strides = array<i32>} : memref<80x128xf32, #tpu.memory_space<vmem>>, vector<1x16xf32>,
        %get3A_54 = vector.shape_cast %get3A_53 : vector<1x16xf32> to vector<16xf32>
        %mul3A_55 = arith.mulf %get3A_54, %broadcast_in_dim3A : vector<16xf32>
        %swap3A = arith.index_cast %add3A_50 : i32 to index
        %swap3A_56 = arith.constant 0 : index
        %swap3A_57 = tpu.vector_load %arg11[%swap3A, %swap3A_56] {strides = array<i32>} : memref<80x128xf32, #tpu.memory_space<vmem>>, vector<1x16xf32>,
        %swap3A_58 = vector.shape_cast %swap3A_57 : vector<1x16xf32> to vector<16xf32>
        %swap3A_59 = vector.shape_cast %mul3A_55 : vector<16xf32> to vector<1x16xf32>
        tpu.vector_store %arg11[%swap3A, %swap3A_56], %swap3A_59 {strides = array<i32>} : memref<80x128xf32, #tpu.memory_space<vmem>>, vector<1x16xf32>,
        %get3A_60 = arith.index_cast %add3A_50 : i32 to index
        %get3A_61 = arith.constant 16 : index
        %get3A_62 = tpu.vector_load %arg11[%get3A_60, %get3A_61] {strides = array<i32>} : memref<80x128xf32, #tpu.memory_space<vmem>>, vector<1x16xf32>,
        %get3A_63 = vector.shape_cast %get3A_62 : vector<1x16xf32> to vector<16xf32>
        %mul3A_64 = arith.mulf %get3A_63, %broadcast_in_dim3A : vector<16xf32>
        %swap3A_65 = arith.index_cast %add3A_50 : i32 to index
        %swap3A_66 = arith.constant 16 : index
        %swap3A_67 = tpu.vector_load %arg11[%swap3A_65, %swap3A_66] {strides = array<i32>} : memref<80x128xf32, #tpu.memory_space<vmem>>, vector<1x16xf32>,
        %swap3A_68 = vector.shape_cast %swap3A_67 : vector<1x16xf32> to vector<16xf32>
        %swap3A_69 = vector.shape_cast %mul3A_64 : vector<16xf32> to vector<1x16xf32>
        tpu.vector_store %arg11[%swap3A_65, %swap3A_66], %swap3A_69 {strides = array<i32>} : memref<80x128xf32, #tpu.memory_space<vmem>>, vector<1x16xf32>,
        %get3A_70 = arith.index_cast %add3A_50 : i32 to index
        %get3A_71 = arith.constant 32 : index
        %get3A_72 = tpu.vector_load %arg11[%get3A_70, %get3A_71] {strides = array<i32>} : memref<80x128xf32, #tpu.memory_space<vmem>>, vector<1x16xf32>,
        %get3A_73 = vector.shape_cast %get3A_72 : vector<1x16xf32> to vector<16xf32>
        %mul3A_74 = arith.mulf %get3A_73, %broadcast_in_dim3A : vector<16xf32>
        %swap3A_75 = arith.index_cast %add3A_50 : i32 to index
        %swap3A_76 = arith.constant 32 : index
        %swap3A_77 = tpu.vector_load %arg11[%swap3A_75, %swap3A_76] {strides = array<i32>} : memref<80x128xf32, #tpu.memory_space<vmem>>, vector<1x16xf32>,
        %swap3A_78 = vector.shape_cast %swap3A_77 : vector<1x16xf32> to vector<16xf32>
        %swap3A_79 = vector.shape_cast %mul3A_74 : vector<16xf32> to vector<1x16xf32>
        tpu.vector_store %arg11[%swap3A_75, %swap3A_76], %swap3A_79 {strides = array<i32>} : memref<80x128xf32, #tpu.memory_space<vmem>>, vector<1x16xf32>,
        %get3A_80 = arith.index_cast %add3A_50 : i32 to index
        %get3A_81 = arith.constant 48 : index
        %get3A_82 = tpu.vector_load %arg11[%get3A_80, %get3A_81] {strides = array<i32>} : memref<80x128xf32, #tpu.memory_space<vmem>>, vector<1x16xf32>,
        %get3A_83 = vector.shape_cast %get3A_82 : vector<1x16xf32> to vector<16xf32>
        %mul3A_84 = arith.mulf %get3A_83, %broadcast_in_dim3A : vector<16xf32>
        %swap3A_85 = arith.index_cast %add3A_50 : i32 to index
        %swap3A_86 = arith.constant 48 : index
        %swap3A_87 = tpu.vector_load %arg11[%swap3A_85, %swap3A_86] {strides = array<i32>} : memref<80x128xf32, #tpu.memory_space<vmem>>, vector<1x16xf32>,
        %swap3A_88 = vector.shape_cast %swap3A_87 : vector<1x16xf32> to vector<16xf32>
        %swap3A_89 = vector.shape_cast %mul3A_84 : vector<16xf32> to vector<1x16xf32>
        tpu.vector_store %arg11[%swap3A_85, %swap3A_86], %swap3A_89 {strides = array<i32>} : memref<80x128xf32, #tpu.memory_space<vmem>>, vector<1x16xf32>,
        %get3A_90 = arith.index_cast %add3A_50 : i32 to index
        %get3A_91 = arith.constant 64 : index
        %get3A_92 = tpu.vector_load %arg11[%get3A_90, %get3A_91] {strides = array<i32>} : memref<80x128xf32, #tpu.memory_space<vmem>>, vector<1x16xf32>,
        %get3A_93 = vector.shape_cast %get3A_92 : vector<1x16xf32> to vector<16xf32>
        %mul3A_94 = arith.mulf %get3A_93, %broadcast_in_dim3A : vector<16xf32>
        %swap3A_95 = arith.index_cast %add3A_50 : i32 to index
        %swap3A_96 = arith.constant 64 : index
        %swap3A_97 = tpu.vector_load %arg11[%swap3A_95, %swap3A_96] {strides = array<i32>} : memref<80x128xf32, #tpu.memory_space<vmem>>, vector<1x16xf32>,
        %swap3A_98 = vector.shape_cast %swap3A_97 : vector<1x16xf32> to vector<16xf32>
        %swap3A_99 = vector.shape_cast %mul3A_94 : vector<16xf32> to vector<1x16xf32>
        tpu.vector_store %arg11[%swap3A_95, %swap3A_96], %swap3A_99 {strides = array<i32>} : memref<80x128xf32, #tpu.memory_space<vmem>>, vector<1x16xf32>,
        %get3A_100 = arith.index_cast %add3A_50 : i32 to index
        %get3A_101 = arith.constant 80 : index
        %get3A_102 = tpu.vector_load %arg11[%get3A_100, %get3A_101] {strides = array<i32>} : memref<80x128xf32, #tpu.memory_space<vmem>>, vector<1x16xf32>,
        %get3A_103 = vector.shape_cast %get3A_102 : vector<1x16xf32> to vector<16xf32>
        %mul3A_104 = arith.mulf %get3A_103, %broadcast_in_dim3A : vector<16xf32>
        %swap3A_105 = arith.index_cast %add3A_50 : i32 to index
        %swap3A_106 = arith.constant 80 : index
        %swap3A_107 = tpu.vector_load %arg11[%swap3A_105, %swap3A_106] {strides = array<i32>} : memref<80x128xf32, #tpu.memory_space<vmem>>, vector<1x16xf32>,
        %swap3A_108 = vector.shape_cast %swap3A_107 : vector<1x16xf32> to vector<16xf32>
        %swap3A_109 = vector.shape_cast %mul3A_104 : vector<16xf32> to vector<1x16xf32>
        tpu.vector_store %arg11[%swap3A_105, %swap3A_106], %swap3A_109 {strides = array<i32>} : memref<80x128xf32, #tpu.memory_space<vmem>>, vector<1x16xf32>,
        %get3A_110 = arith.index_cast %add3A_50 : i32 to index
        %get3A_111 = arith.constant 96 : index
        %get3A_112 = tpu.vector_load %arg11[%get3A_110, %get3A_111] {strides = array<i32>} : memref<80x128xf32, #tpu.memory_space<vmem>>, vector<1x16xf32>,
        %get3A_113 = vector.shape_cast %get3A_112 : vector<1x16xf32> to vector<16xf32>
        %mul3A_114 = arith.mulf %get3A_113, %broadcast_in_dim3A : vector<16xf32>
        %swap3A_115 = arith.index_cast %add3A_50 : i32 to index
        %swap3A_116 = arith.constant 96 : index
        %swap3A_117 = tpu.vector_load %arg11[%swap3A_115, %swap3A_116] {strides = array<i32>} : memref<80x128xf32, #tpu.memory_space<vmem>>, vector<1x16xf32>,
        %swap3A_118 = vector.shape_cast %swap3A_117 : vector<1x16xf32> to vector<16xf32>
        %swap3A_119 = vector.shape_cast %mul3A_114 : vector<16xf32> to vector<1x16xf32>
        tpu.vector_store %arg11[%swap3A_115, %swap3A_116], %swap3A_119 {strides = array<i32>} : memref<80x128xf32, #tpu.memory_space<vmem>>, vector<1x16xf32>,
        %get3A_120 = arith.index_cast %add3A_50 : i32 to index
        %get3A_121 = arith.constant 112 : index
        %get3A_122 = tpu.vector_load %arg11[%get3A_120, %get3A_121] {strides = array<i32>} : memref<80x128xf32, #tpu.memory_space<vmem>>, vector<1x16xf32>,
        %get3A_123 = vector.shape_cast %get3A_122 : vector<1x16xf32> to vector<16xf32>
        %mul3A_124 = arith.mulf %get3A_123, %broadcast_in_dim3A : vector<16xf32>
        %swap3A_125 = arith.index_cast %add3A_50 : i32 to index
        %swap3A_126 = arith.constant 112 : index
        %swap3A_127 = tpu.vector_load %arg11[%swap3A_125, %swap3A_126] {strides = array<i32>} : memref<80x128xf32, #tpu.memory_space<vmem>>, vector<1x16xf32>,
        %swap3A_128 = vector.shape_cast %swap3A_127 : vector<1x16xf32> to vector<16xf32>
        %swap3A_129 = vector.shape_cast %mul3A_124 : vector<16xf32> to vector<1x16xf32>
        tpu.vector_store %arg11[%swap3A_125, %swap3A_126], %swap3A_129 {strides = array<i32>} : memref<80x128xf32, #tpu.memory_space<vmem>>, vector<1x16xf32>,
        %slice3A_130 = vector.extract_strided_slice %get3A_46 {offsets = [1], sizes = [1], strides = [1]} : vector<16xf32> to vector<1xf32>
        %squeeze3A_131 = vector.extract %slice3A_130[0] : f32 from vector<1xf32>
        %broadcast_in_dim3A_132 = vector.broadcast %squeeze3A_131 : f32 to vector<16xf32>
        %mul3A_133 = arith.constant 16 : i32
        %mul3A_134 = arith.muli %scan3A_39, %mul3A_133 : i32
        %add3A_135 = arith.constant 1 : i32
        %add3A_136 = arith.addi %mul3A_134, %add3A_135 : i32
        %get3A_137 = arith.index_cast %add3A_136 : i32 to index
        %get3A_138 = arith.constant 0 : index
        %get3A_139 = tpu.vector_load %arg11[%get3A_137, %get3A_138] {strides = array<i32>} : memref<80x128xf32, #tpu.memory_space<vmem>>, vector<1x16xf32>,
        %get3A_140 = vector.shape_cast %get3A_139 : vector<1x16xf32> to vector<16xf32>
        %mul3A_141 = arith.mulf %get3A_140, %broadcast_in_dim3A_132 : vector<16xf32>
        %swap3A_142 = arith.index_cast %add3A_136 : i32 to index
        %swap3A_143 = arith.constant 0 : index
        %swap3A_144 = tpu.vector_load %arg11[%swap3A_142, %swap3A_143] {strides = array<i32>} : memref<80x128xf32, #tpu.memory_space<vmem>>, vector<1x16xf32>,
        %swap3A_145 = vector.shape_cast %swap3A_144 : vector<1x16xf32> to vector<16xf32>
        %swap3A_146 = vector.shape_cast %mul3A_141 : vector<16xf32> to vector<1x16xf32>
        tpu.vector_store %arg11[%swap3A_142, %swap3A_143], %swap3A_146 {strides = array<i32>} : memref<80x128xf32, #tpu.memory_space<vmem>>, vector<1x16xf32>,
        %get3A_147 = arith.index_cast %add3A_136 : i32 to index
        %get3A_148 = arith.constant 16 : index
        %get3A_149 = tpu.vector_load %arg11[%get3A_147, %get3A_148] {strides = array<i32>} : memref<80x128xf32, #tpu.memory_space<vmem>>, vector<1x16xf32>,
        %get3A_150 = vector.shape_cast %get3A_149 : vector<1x16xf32> to vector<16xf32>
        %mul3A_151 = arith.mulf %get3A_150, %broadcast_in_dim3A_132 : vector<16xf32>
        %swap3A_152 = arith.index_cast %add3A_136 : i32 to index
        %swap3A_153 = arith.constant 16 : index
        %swap3A_154 = tpu.vector_load %arg11[%swap3A_152, %swap3A_153] {strides = array<i32>} : memref<80x128xf32, #tpu.memory_space<vmem>>, vector<1x16xf32>,
        %swap3A_155 = vector.shape_cast %swap3A_154 : vector<1x16xf32> to vector<16xf32>
        %swap3A_156 = vector.shape_cast %mul3A_151 : vector<16xf32> to vector<1x16xf32>
        tpu.vector_store %arg11[%swap3A_152, %swap3A_153], %swap3A_156 {strides = array<i32>} : memref<80x128xf32, #tpu.memory_space<vmem>>, vector<1x16xf32>,
        %get3A_157 = arith.index_cast %add3A_136 : i32 to index
        %get3A_158 = arith.constant 32 : index
        %get3A_159 = tpu.vector_load %arg11[%get3A_157, %get3A_158] {strides = array<i32>} : memref<80x128xf32, #tpu.memory_space<vmem>>, vector<1x16xf32>,
        %get3A_160 = vector.shape_cast %get3A_159 : vector<1x16xf32> to vector<16xf32>
        %mul3A_161 = arith.mulf %get3A_160, %broadcast_in_dim3A_132 : vector<16xf32>
        %swap3A_162 = arith.index_cast %add3A_136 : i32 to index
        %swap3A_163 = arith.constant 32 : index
        %swap3A_164 = tpu.vector_load %arg11[%swap3A_162, %swap3A_163] {strides = array<i32>} : memref<80x128xf32, #tpu.memory_space<vmem>>, vector<1x16xf32>,
        %swap3A_165 = vector.shape_cast %swap3A_164 : vector<1x16xf32> to vector<16xf32>
        %swap3A_166 = vector.shape_cast %mul3A_161 : vector<16xf32> to vector<1x16xf32>
        tpu.vector_store %arg11[%swap3A_162, %swap3A_163], %swap3A_166 {strides = array<i32>} : memref<80x128xf32, #tpu.memory_space<vmem>>, vector<1x16xf32>,
        %get3A_167 = arith.index_cast %add3A_136 : i32 to index
        %get3A_168 = arith.constant 48 : index
        %get3A_169 = tpu.vector_load %arg11[%get3A_167, %get3A_168] {strides = array<i32>} : memref<80x128xf32, #tpu.memory_space<vmem>>, vector<1x16xf32>,
        %get3A_170 = vector.shape_cast %get3A_169 : vector<1x16xf32> to vector<16xf32>
        %mul3A_171 = arith.mulf %get3A_170, %broadcast_in_dim3A_132 : vector<16xf32>
        %swap3A_172 = arith.index_cast %add3A_136 : i32 to index
        %swap3A_173 = arith.constant 48 : index
        %swap3A_174 = tpu.vector_load %arg11[%swap3A_172, %swap3A_173] {strides = array<i32>} : memref<80x128xf32, #tpu.memory_space<vmem>>, vector<1x16xf32>,
        %swap3A_175 = vector.shape_cast %swap3A_174 : vector<1x16xf32> to vector<16xf32>
        %swap3A_176 = vector.shape_cast %mul3A_171 : vector<16xf32> to vector<1x16xf32>
        tpu.vector_store %arg11[%swap3A_172, %swap3A_173], %swap3A_176 {strides = array<i32>} : memref<80x128xf32, #tpu.memory_space<vmem>>, vector<1x16xf32>,
        %get3A_177 = arith.index_cast %add3A_136 : i32 to index
        %get3A_178 = arith.constant 64 : index
        %get3A_179 = tpu.vector_load %arg11[%get3A_177, %get3A_178] {strides = array<i32>} : memref<80x128xf32, #tpu.memory_space<vmem>>, vector<1x16xf32>,
        %get3A_180 = vector.shape_cast %get3A_179 : vector<1x16xf32> to vector<16xf32>
        %mul3A_181 = arith.mulf %get3A_180, %broadcast_in_dim3A_132 : vector<16xf32>
        %swap3A_182 = arith.index_cast %add3A_136 : i32 to index
        %swap3A_183 = arith.constant 64 : index
        %swap3A_184 = tpu.vector_load %arg11[%swap3A_182, %swap3A_183] {strides = array<i32>} : memref<80x128xf32, #tpu.memory_space<vmem>>, vector<1x16xf32>,
        %swap3A_185 = vector.shape_cast %swap3A_184 : vector<1x16xf32> to vector<16xf32>
        %swap3A_186 = vector.shape_cast %mul3A_181 : vector<16xf32> to vector<1x16xf32>
        tpu.vector_store %arg11[%swap3A_182, %swap3A_183], %swap3A_186 {strides = array<i32>} : memref<80x128xf32, #tpu.memory_space<vmem>>, vector<1x16xf32>,
        %get3A_187 = arith.index_cast %add3A_136 : i32 to index
        %get3A_188 = arith.constant 80 : index
        %get3A_189 = tpu.vector_load %arg11[%get3A_187, %get3A_188] {strides = array<i32>} : memref<80x128xf32, #tpu.memory_space<vmem>>, vector<1x16xf32>,
        %get3A_190 = vector.shape_cast %get3A_189 : vector<1x16xf32> to vector<16xf32>
        %mul3A_191 = arith.mulf %get3A_190, %broadcast_in_dim3A_132 : vector<16xf32>
        %swap3A_192 = arith.index_cast %add3A_136 : i32 to index
        %swap3A_193 = arith.constant 80 : index
        %swap3A_194 = tpu.vector_load %arg11[%swap3A_192, %swap3A_193] {strides = array<i32>} : memref<80x128xf32, #tpu.memory_space<vmem>>, vector<1x16xf32>,
        %swap3A_195 = vector.shape_cast %swap3A_194 : vector<1x16xf32> to vector<16xf32>
        %swap3A_196 = vector.shape_cast %mul3A_191 : vector<16xf32> to vector<1x16xf32>
        tpu.vector_store %arg11[%swap3A_192, %swap3A_193], %swap3A_196 {strides = array<i32>} : memref<80x128xf32, #tpu.memory_space<vmem>>, vector<1x16xf32>,
        %get3A_197 = arith.index_cast %add3A_136 : i32 to index
        %get3A_198 = arith.constant 96 : index
        %get3A_199 = tpu.vector_load %arg11[%get3A_197, %get3A_198] {strides = array<i32>} : memref<80x128xf32, #tpu.memory_space<vmem>>, vector<1x16xf32>,
        %get3A_200 = vector.shape_cast %get3A_199 : vector<1x16xf32> to vector<16xf32>
        %mul3A_201 = arith.mulf %get3A_200, %broadcast_in_dim3A_132 : vector<16xf32>
        %swap3A_202 = arith.index_cast %add3A_136 : i32 to index
        %swap3A_203 = arith.constant 96 : index
        %swap3A_204 = tpu.vector_load %arg11[%swap3A_202, %swap3A_203] {strides = array<i32>} : memref<80x128xf32, #tpu.memory_space<vmem>>, vector<1x16xf32>,
        %swap3A_205 = vector.shape_cast %swap3A_204 : vector<1x16xf32> to vector<16xf32>
        %swap3A_206 = vector.shape_cast %mul3A_201 : vector<16xf32> to vector<1x16xf32>
        tpu.vector_store %arg11[%swap3A_202, %swap3A_203], %swap3A_206 {strides = array<i32>} : memref<80x128xf32, #tpu.memory_space<vmem>>, vector<1x16xf32>,
        %get3A_207 = arith.index_cast %add3A_136 : i32 to index
        %get3A_208 = arith.constant 112 : index
        %get3A_209 = tpu.vector_load %arg11[%get3A_207, %get3A_208] {strides = array<i32>} : memref<80x128xf32, #tpu.memory_space<vmem>>, vector<1x16xf32>,
        %get3A_210 = vector.shape_cast %get3A_209 : vector<1x16xf32> to vector<16xf32>
        %mul3A_211 = arith.mulf %get3A_210, %broadcast_in_dim3A_132 : vector<16xf32>
        %swap3A_212 = arith.index_cast %add3A_136 : i32 to index
        %swap3A_213 = arith.constant 112 : index
        %swap3A_214 = tpu.vector_load %arg11[%swap3A_212, %swap3A_213] {strides = array<i32>} : memref<80x128xf32, #tpu.memory_space<vmem>>, vector<1x16xf32>,
        %swap3A_215 = vector.shape_cast %swap3A_214 : vector<1x16xf32> to vector<16xf32>
        %swap3A_216 = vector.shape_cast %mul3A_211 : vector<16xf32> to vector<1x16xf32>
        tpu.vector_store %arg11[%swap3A_212, %swap3A_213], %swap3A_216 {strides = array<i32>} : memref<80x128xf32, #tpu.memory_space<vmem>>, vector<1x16xf32>,
        %slice3A_217 = vector.extract_strided_slice %get3A_46 {offsets = [2], sizes = [1], strides = [1]} : vector<16xf32> to vector<1xf32>
        %squeeze3A_218 = vector.extract %slice3A_217[0] : f32 from vector<1xf32>
        %broadcast_in_dim3A_219 = vector.broadcast %squeeze3A_218 : f32 to vector<16xf32>
        %mul3A_220 = arith.constant 16 : i32
        %mul3A_221 = arith.muli %scan3A_39, %mul3A_220 : i32
        %add3A_222 = arith.constant 2 : i32
        %add3A_223 = arith.addi %mul3A_221, %add3A_222 : i32
        %get3A_224 = arith.index_cast %add3A_223 : i32 to index
        %get3A_225 = arith.constant 0 : index
        %get3A_226 = tpu.vector_load %arg11[%get3A_224, %get3A_225] {strides = array<i32>} : memref<80x128xf32, #tpu.memory_space<vmem>>, vector<1x16xf32>,
        %get3A_227 = vector.shape_cast %get3A_226 : vector<1x16xf32> to vector<16xf32>
        %mul3A_228 = arith.mulf %get3A_227, %broadcast_in_dim3A_219 : vector<16xf32>
        %swap3A_229 = arith.index_cast %add3A_223 : i32 to index
        %swap3A_230 = arith.constant 0 : index
        %swap3A_231 = tpu.vector_load %arg11[%swap3A_229, %swap3A_230] {strides = array<i32>} : memref<80x128xf32, #tpu.memory_space<vmem>>, vector<1x16xf32>,
        %swap3A_232 = vector.shape_cast %swap3A_231 : vector<1x16xf32> to vector<16xf32>
        %swap3A_233 = vector.shape_cast %mul3A_228 : vector<16xf32> to vector<1x16xf32>
        tpu.vector_store %arg11[%swap3A_229, %swap3A_230], %swap3A_233 {strides = array<i32>} : memref<80x128xf32, #tpu.memory_space<vmem>>, vector<1x16xf32>,
        %get3A_234 = arith.index_cast %add3A_223 : i32 to index
        %get3A_235 = arith.constant 16 : index
        %get3A_236 = tpu.vector_load %arg11[%get3A_234, %get3A_235] {strides = array<i32>} : memref<80x128xf32, #tpu.memory_space<vmem>>, vector<1x16xf32>,
        %get3A_237 = vector.shape_cast %get3A_236 : vector<1x16xf32> to vector<16xf32>
        %mul3A_238 = arith.mulf %get3A_237, %broadcast_in_dim3A_219 : vector<16xf32>
        %swap3A_239 = arith.index_cast %add3A_223 : i32 to index
        %swap3A_240 = arith.constant 16 : index
        %swap3A_241 = tpu.vector_load %arg11[%swap3A_239, %swap3A_240] {strides = array<i32>} : memref<80x128xf32, #tpu.memory_space<vmem>>, vector<1x16xf32>,
        %swap3A_242 = vector.shape_cast %swap3A_241 : vector<1x16xf32> to vector<16xf32>
        %swap3A_243 = vector.shape_cast %mul3A_238 : vector<16xf32> to vector<1x16xf32>
        tpu.vector_store %arg11[%swap3A_239, %swap3A_240], %swap3A_243 {strides = array<i32>} : memref<80x128xf32, #tpu.memory_space<vmem>>, vector<1x16xf32>,
        %get3A_244 = arith.index_cast %add3A_223 : i32 to index
        %get3A_245 = arith.constant 32 : index
        %get3A_246 = tpu.vector_load %arg11[%get3A_244, %get3A_245] {strides = array<i32>} : memref<80x128xf32, #tpu.memory_space<vmem>>, vector<1x16xf32>,
        %get3A_247 = vector.shape_cast %get3A_246 : vector<1x16xf32> to vector<16xf32>
        %mul3A_248 = arith.mulf %get3A_247, %broadcast_in_dim3A_219 : vector<16xf32>
        %swap3A_249 = arith.index_cast %add3A_223 : i32 to index
        %swap3A_250 = arith.constant 32 : index
        %swap3A_251 = tpu.vector_load %arg11[%swap3A_249, %swap3A_250] {strides = array<i32>} : memref<80x128xf32, #tpu.memory_space<vmem>>, vector<1x16xf32>,
        %swap3A_252 = vector.shape_cast %swap3A_251 : vector<1x16xf32> to vector<16xf32>
        %swap3A_253 = vector.shape_cast %mul3A_248 : vector<16xf32> to vector<1x16xf32>
        tpu.vector_store %arg11[%swap3A_249, %swap3A_250], %swap3A_253 {strides = array<i32>} : memref<80x128xf32, #tpu.memory_space<vmem>>, vector<1x16xf32>,
        %get3A_254 = arith.index_cast %add3A_223 : i32 to index
        %get3A_255 = arith.constant 48 : index
        %get3A_256 = tpu.vector_load %arg11[%get3A_254, %get3A_255] {strides = array<i32>} : memref<80x128xf32, #tpu.memory_space<vmem>>, vector<1x16xf32>,
        %get3A_257 = vector.shape_cast %get3A_256 : vector<1x16xf32> to vector<16xf32>
        %mul3A_258 = arith.mulf %get3A_257, %broadcast_in_dim3A_219 : vector<16xf32>
        %swap3A_259 = arith.index_cast %add3A_223 : i32 to index
        %swap3A_260 = arith.constant 48 : index
        %swap3A_261 = tpu.vector_load %arg11[%swap3A_259, %swap3A_260] {strides = array<i32>} : memref<80x128xf32, #tpu.memory_space<vmem>>, vector<1x16xf32>,
        %swap3A_262 = vector.shape_cast %swap3A_261 : vector<1x16xf32> to vector<16xf32>
        %swap3A_263 = vector.shape_cast %mul3A_258 : vector<16xf32> to vector<1x16xf32>
        tpu.vector_store %arg11[%swap3A_259, %swap3A_260], %swap3A_263 {strides = array<i32>} : memref<80x128xf32, #tpu.memory_space<vmem>>, vector<1x16xf32>,
        %get3A_264 = arith.index_cast %add3A_223 : i32 to index
        %get3A_265 = arith.constant 64 : index
        %get3A_266 = tpu.vector_load %arg11[%get3A_264, %get3A_265] {strides = array<i32>} : memref<80x128xf32, #tpu.memory_space<vmem>>, vector<1x16xf32>,
        %get3A_267 = vector.shape_cast %get3A_266 : vector<1x16xf32> to vector<16xf32>
        %mul3A_268 = arith.mulf %get3A_267, %broadcast_in_dim3A_219 : vector<16xf32>
        %swap3A_269 = arith.index_cast %add3A_223 : i32 to index
        %swap3A_270 = arith.constant 64 : index
        %swap3A_271 = tpu.vector_load %arg11[%swap3A_269, %swap3A_270] {strides = array<i32>} : memref<80x128xf32, #tpu.memory_space<vmem>>, vector<1x16xf32>,
        %swap3A_272 = vector.shape_cast %swap3A_271 : vector<1x16xf32> to vector<16xf32>
        %swap3A_273 = vector.shape_cast %mul3A_268 : vector<16xf32> to vector<1x16xf32>
        tpu.vector_store %arg11[%swap3A_269, %swap3A_270], %swap3A_273 {strides = array<i32>} : memref<80x128xf32, #tpu.memory_space<vmem>>, vector<1x16xf32>,
        %get3A_274 = arith.index_cast %add3A_223 : i32 to index
        %get3A_275 = arith.constant 80 : index
        %get3A_276 = tpu.vector_load %arg11[%get3A_274, %get3A_275] {strides = array<i32>} : memref<80x128xf32, #tpu.memory_space<vmem>>, vector<1x16xf32>,
        %get3A_277 = vector.shape_cast %get3A_276 : vector<1x16xf32> to vector<16xf32>
        %mul3A_278 = arith.mulf %get3A_277, %broadcast_in_dim3A_219 : vector<16xf32>
        %swap3A_279 = arith.index_cast %add3A_223 : i32 to index
        %swap3A_280 = arith.constant 80 : index
        %swap3A_281 = tpu.vector_load %arg11[%swap3A_279, %swap3A_280] {strides = array<i32>} : memref<80x128xf32, #tpu.memory_space<vmem>>, vector<1x16xf32>,
        %swap3A_282 = vector.shape_cast %swap3A_281 : vector<1x16xf32> to vector<16xf32>
        %swap3A_283 = vector.shape_cast %mul3A_278 : vector<16xf32> to vector<1x16xf32>
        tpu.vector_store %arg11[%swap3A_279, %swap3A_280], %swap3A_283 {strides = array<i32>} : memref<80x128xf32, #tpu.memory_space<vmem>>, vector<1x16xf32>,
        %get3A_284 = arith.index_cast %add3A_223 : i32 to index
        %get3A_285 = arith.constant 96 : index
        %get3A_286 = tpu.vector_load %arg11[%get3A_284, %get3A_285] {strides = array<i32>} : memref<80x128xf32, #tpu.memory_space<vmem>>, vector<1x16xf32>,
        %get3A_287 = vector.shape_cast %get3A_286 : vector<1x16xf32> to vector<16xf32>
        %mul3A_288 = arith.mulf %get3A_287, %broadcast_in_dim3A_219 : vector<16xf32>
        %swap3A_289 = arith.index_cast %add3A_223 : i32 to index
        %swap3A_290 = arith.constant 96 : index
        %swap3A_291 = tpu.vector_load %arg11[%swap3A_289, %swap3A_290] {strides = array<i32>} : memref<80x128xf32, #tpu.memory_space<vmem>>, vector<1x16xf32>,
        %swap3A_292 = vector.shape_cast %swap3A_291 : vector<1x16xf32> to vector<16xf32>
        %swap3A_293 = vector.shape_cast %mul3A_288 : vector<16xf32> to vector<1x16xf32>
        tpu.vector_store %arg11[%swap3A_289, %swap3A_290], %swap3A_293 {strides = array<i32>} : memref<80x128xf32, #tpu.memory_space<vmem>>, vector<1x16xf32>,
        %get3A_294 = arith.index_cast %add3A_223 : i32 to index
        %get3A_295 = arith.constant 112 : index
        %get3A_296 = tpu.vector_load %arg11[%get3A_294, %get3A_295] {strides = array<i32>} : memref<80x128xf32, #tpu.memory_space<vmem>>, vector<1x16xf32>,
        %get3A_297 = vector.shape_cast %get3A_296 : vector<1x16xf32> to vector<16xf32>
        %mul3A_298 = arith.mulf %get3A_297, %broadcast_in_dim3A_219 : vector<16xf32>
        %swap3A_299 = arith.index_cast %add3A_223 : i32 to index
        %swap3A_300 = arith.constant 112 : index
        %swap3A_301 = tpu.vector_load %arg11[%swap3A_299, %swap3A_300] {strides = array<i32>} : memref<80x128xf32, #tpu.memory_space<vmem>>, vector<1x16xf32>,
        %swap3A_302 = vector.shape_cast %swap3A_301 : vector<1x16xf32> to vector<16xf32>
        %swap3A_303 = vector.shape_cast %mul3A_298 : vector<16xf32> to vector<1x16xf32>
        tpu.vector_store %arg11[%swap3A_299, %swap3A_300], %swap3A_303 {strides = array<i32>} : memref<80x128xf32, #tpu.memory_space<vmem>>, vector<1x16xf32>,
        %slice3A_304 = vector.extract_strided_slice %get3A_46 {offsets = [3], sizes = [1], strides = [1]} : vector<16xf32> to vector<1xf32>
        %squeeze3A_305 = vector.extract %slice3A_304[0] : f32 from vector<1xf32>
        %broadcast_in_dim3A_306 = vector.broadcast %squeeze3A_305 : f32 to vector<16xf32>
        %mul3A_307 = arith.constant 16 : i32
        %mul3A_308 = arith.muli %scan3A_39, %mul3A_307 : i32
        %add3A_309 = arith.constant 3 : i32
        %add3A_310 = arith.addi %mul3A_308, %add3A_309 : i32
        %get3A_311 = arith.index_cast %add3A_310 : i32 to index
        %get3A_312 = arith.constant 0 : index
        %get3A_313 = tpu.vector_load %arg11[%get3A_311, %get3A_312] {strides = array<i32>} : memref<80x128xf32, #tpu.memory_space<vmem>>, vector<1x16xf32>,
        %get3A_314 = vector.shape_cast %get3A_313 : vector<1x16xf32> to vector<16xf32>
        %mul3A_315 = arith.mulf %get3A_314, %broadcast_in_dim3A_306 : vector<16xf32>
        %swap3A_316 = arith.index_cast %add3A_310 : i32 to index
        %swap3A_317 = arith.constant 0 : index
        %swap3A_318 = tpu.vector_load %arg11[%swap3A_316, %swap3A_317] {strides = array<i32>} : memref<80x128xf32, #tpu.memory_space<vmem>>, vector<1x16xf32>,
        %swap3A_319 = vector.shape_cast %swap3A_318 : vector<1x16xf32> to vector<16xf32>
        %swap3A_320 = vector.shape_cast %mul3A_315 : vector<16xf32> to vector<1x16xf32>
        tpu.vector_store %arg11[%swap3A_316, %swap3A_317], %swap3A_320 {strides = array<i32>} : memref<80x128xf32, #tpu.memory_space<vmem>>, vector<1x16xf32>,
        %get3A_321 = arith.index_cast %add3A_310 : i32 to index
        %get3A_322 = arith.constant 16 : index
        %get3A_323 = tpu.vector_load %arg11[%get3A_321, %get3A_322] {strides = array<i32>} : memref<80x128xf32, #tpu.memory_space<vmem>>, vector<1x16xf32>,
        %get3A_324 = vector.shape_cast %get3A_323 : vector<1x16xf32> to vector<16xf32>
        %mul3A_325 = arith.mulf %get3A_324, %broadcast_in_dim3A_306 : vector<16xf32>
        %swap3A_326 = arith.index_cast %add3A_310 : i32 to index
        %swap3A_327 = arith.constant 16 : index
        %swap3A_328 = tpu.vector_load %arg11[%swap3A_326, %swap3A_327] {strides = array<i32>} : memref<80x128xf32, #tpu.memory_space<vmem>>, vector<1x16xf32>,
        %swap3A_329 = vector.shape_cast %swap3A_328 : vector<1x16xf32> to vector<16xf32>
        %swap3A_330 = vector.shape_cast %mul3A_325 : vector<16xf32> to vector<1x16xf32>
        tpu.vector_store %arg11[%swap3A_326, %swap3A_327], %swap3A_330 {strides = array<i32>} : memref<80x128xf32, #tpu.memory_space<vmem>>, vector<1x16xf32>,
        %get3A_331 = arith.index_cast %add3A_310 : i32 to index
        %get3A_332 = arith.constant 32 : index
        %get3A_333 = tpu.vector_load %arg11[%get3A_331, %get3A_332] {strides = array<i32>} : memref<80x128xf32, #tpu.memory_space<vmem>>, vector<1x16xf32>,
        %get3A_334 = vector.shape_cast %get3A_333 : vector<1x16xf32> to vector<16xf32>
        %mul3A_335 = arith.mulf %get3A_334, %broadcast_in_dim3A_306 : vector<16xf32>
        %swap3A_336 = arith.index_cast %add3A_310 : i32 to index
        %swap3A_337 = arith.constant 32 : index
        %swap3A_338 = tpu.vector_load %arg11[%swap3A_336, %swap3A_337] {strides = array<i32>} : memref<80x128xf32, #tpu.memory_space<vmem>>, vector<1x16xf32>,
        %swap3A_339 = vector.shape_cast %swap3A_338 : vector<1x16xf32> to vector<16xf32>
        %swap3A_340 = vector.shape_cast %mul3A_335 : vector<16xf32> to vector<1x16xf32>
        tpu.vector_store %arg11[%swap3A_336, %swap3A_337], %swap3A_340 {strides = array<i32>} : memref<80x128xf32, #tpu.memory_space<vmem>>, vector<1x16xf32>,
        %get3A_341 = arith.index_cast %add3A_310 : i32 to index
        %get3A_342 = arith.constant 48 : index
        %get3A_343 = tpu.vector_load %arg11[%get3A_341, %get3A_342] {strides = array<i32>} : memref<80x128xf32, #tpu.memory_space<vmem>>, vector<1x16xf32>,
        %get3A_344 = vector.shape_cast %get3A_343 : vector<1x16xf32> to vector<16xf32>
        %mul3A_345 = arith.mulf %get3A_344, %broadcast_in_dim3A_306 : vector<16xf32>
        %swap3A_346 = arith.index_cast %add3A_310 : i32 to index
        %swap3A_347 = arith.constant 48 : index
        %swap3A_348 = tpu.vector_load %arg11[%swap3A_346, %swap3A_347] {strides = array<i32>} : memref<80x128xf32, #tpu.memory_space<vmem>>, vector<1x16xf32>,
        %swap3A_349 = vector.shape_cast %swap3A_348 : vector<1x16xf32> to vector<16xf32>
        %swap3A_350 = vector.shape_cast %mul3A_345 : vector<16xf32> to vector<1x16xf32>
        tpu.vector_store %arg11[%swap3A_346, %swap3A_347], %swap3A_350 {strides = array<i32>} : memref<80x128xf32, #tpu.memory_space<vmem>>, vector<1x16xf32>,
        %get3A_351 = arith.index_cast %add3A_310 : i32 to index
        %get3A_352 = arith.constant 64 : index
        %get3A_353 = tpu.vector_load %arg11[%get3A_351, %get3A_352] {strides = array<i32>} : memref<80x128xf32, #tpu.memory_space<vmem>>, vector<1x16xf32>,
        %get3A_354 = vector.shape_cast %get3A_353 : vector<1x16xf32> to vector<16xf32>
        %mul3A_355 = arith.mulf %get3A_354, %broadcast_in_dim3A_306 : vector<16xf32>
        %swap3A_356 = arith.index_cast %add3A_310 : i32 to index
        %swap3A_357 = arith.constant 64 : index
        %swap3A_358 = tpu.vector_load %arg11[%swap3A_356, %swap3A_357] {strides = array<i32>} : memref<80x128xf32, #tpu.memory_space<vmem>>, vector<1x16xf32>,
        %swap3A_359 = vector.shape_cast %swap3A_358 : vector<1x16xf32> to vector<16xf32>
        %swap3A_360 = vector.shape_cast %mul3A_355 : vector<16xf32> to vector<1x16xf32>
        tpu.vector_store %arg11[%swap3A_356, %swap3A_357], %swap3A_360 {strides = array<i32>} : memref<80x128xf32, #tpu.memory_space<vmem>>, vector<1x16xf32>,
        %get3A_361 = arith.index_cast %add3A_310 : i32 to index
        %get3A_362 = arith.constant 80 : index
        %get3A_363 = tpu.vector_load %arg11[%get3A_361, %get3A_362] {strides = array<i32>} : memref<80x128xf32, #tpu.memory_space<vmem>>, vector<1x16xf32>,
        %get3A_364 = vector.shape_cast %get3A_363 : vector<1x16xf32> to vector<16xf32>
        %mul3A_365 = arith.mulf %get3A_364, %broadcast_in_dim3A_306 : vector<16xf32>
        %swap3A_366 = arith.index_cast %add3A_310 : i32 to index
        %swap3A_367 = arith.constant 80 : index
        %swap3A_368 = tpu.vector_load %arg11[%swap3A_366, %swap3A_367] {strides = array<i32>} : memref<80x128xf32, #tpu.memory_space<vmem>>, vector<1x16xf32>,
        %swap3A_369 = vector.shape_cast %swap3A_368 : vector<1x16xf32> to vector<16xf32>
        %swap3A_370 = vector.shape_cast %mul3A_365 : vector<16xf32> to vector<1x16xf32>
        tpu.vector_store %arg11[%swap3A_366, %swap3A_367], %swap3A_370 {strides = array<i32>} : memref<80x128xf32, #tpu.memory_space<vmem>>, vector<1x16xf32>,
        %get3A_371 = arith.index_cast %add3A_310 : i32 to index
        %get3A_372 = arith.constant 96 : index
        %get3A_373 = tpu.vector_load %arg11[%get3A_371, %get3A_372] {strides = array<i32>} : memref<80x128xf32, #tpu.memory_space<vmem>>, vector<1x16xf32>,
        %get3A_374 = vector.shape_cast %get3A_373 : vector<1x16xf32> to vector<16xf32>
        %mul3A_375 = arith.mulf %get3A_374, %broadcast_in_dim3A_306 : vector<16xf32>
        %swap3A_376 = arith.index_cast %add3A_310 : i32 to index
        %swap3A_377 = arith.constant 96 : index
        %swap3A_378 = tpu.vector_load %arg11[%swap3A_376, %swap3A_377] {strides = array<i32>} : memref<80x128xf32, #tpu.memory_space<vmem>>, vector<1x16xf32>,
        %swap3A_379 = vector.shape_cast %swap3A_378 : vector<1x16xf32> to vector<16xf32>
        %swap3A_380 = vector.shape_cast %mul3A_375 : vector<16xf32> to vector<1x16xf32>
        tpu.vector_store %arg11[%swap3A_376, %swap3A_377], %swap3A_380 {strides = array<i32>} : memref<80x128xf32, #tpu.memory_space<vmem>>, vector<1x16xf32>,
        %get3A_381 = arith.index_cast %add3A_310 : i32 to index
        %get3A_382 = arith.constant 112 : index
        %get3A_383 = tpu.vector_load %arg11[%get3A_381, %get3A_382] {strides = array<i32>} : memref<80x128xf32, #tpu.memory_space<vmem>>, vector<1x16xf32>,
        %get3A_384 = vector.shape_cast %get3A_383 : vector<1x16xf32> to vector<16xf32>
        %mul3A_385 = arith.mulf %get3A_384, %broadcast_in_dim3A_306 : vector<16xf32>
        %swap3A_386 = arith.index_cast %add3A_310 : i32 to index
        %swap3A_387 = arith.constant 112 : index
        %swap3A_388 = tpu.vector_load %arg11[%swap3A_386, %swap3A_387] {strides = array<i32>} : memref<80x128xf32, #tpu.memory_space<vmem>>, vector<1x16xf32>,
        %swap3A_389 = vector.shape_cast %swap3A_388 : vector<1x16xf32> to vector<16xf32>
        %swap3A_390 = vector.shape_cast %mul3A_385 : vector<16xf32> to vector<1x16xf32>
        tpu.vector_store %arg11[%swap3A_386, %swap3A_387], %swap3A_390 {strides = array<i32>} : memref<80x128xf32, #tpu.memory_space<vmem>>, vector<1x16xf32>,
        %slice3A_391 = vector.extract_strided_slice %get3A_46 {offsets = [4], sizes = [1], strides = [1]} : vector<16xf32> to vector<1xf32>
        %squeeze3A_392 = vector.extract %slice3A_391[0] : f32 from vector<1xf32>
        %broadcast_in_dim3A_393 = vector.broadcast %squeeze3A_392 : f32 to vector<16xf32>
        %mul3A_394 = arith.constant 16 : i32
        %mul3A_395 = arith.muli %scan3A_39, %mul3A_394 : i32
        %add3A_396 = arith.constant 4 : i32
        %add3A_397 = arith.addi %mul3A_395, %add3A_396 : i32
        %get3A_398 = arith.index_cast %add3A_397 : i32 to index
        %get3A_399 = arith.constant 0 : index
        %get3A_400 = tpu.vector_load %arg11[%get3A_398, %get3A_399] {strides = array<i32>} : memref<80x128xf32, #tpu.memory_space<vmem>>, vector<1x16xf32>,
        %get3A_401 = vector.shape_cast %get3A_400 : vector<1x16xf32> to vector<16xf32>
        %mul3A_402 = arith.mulf %get3A_401, %broadcast_in_dim3A_393 : vector<16xf32>
        %swap3A_403 = arith.index_cast %add3A_397 : i32 to index
        %swap3A_404 = arith.constant 0 : index
        %swap3A_405 = tpu.vector_load %arg11[%swap3A_403, %swap3A_404] {strides = array<i32>} : memref<80x128xf32, #tpu.memory_space<vmem>>, vector<1x16xf32>,
        %swap3A_406 = vector.shape_cast %swap3A_405 : vector<1x16xf32> to vector<16xf32>
        %swap3A_407 = vector.shape_cast %mul3A_402 : vector<16xf32> to vector<1x16xf32>
        tpu.vector_store %arg11[%swap3A_403, %swap3A_404], %swap3A_407 {strides = array<i32>} : memref<80x128xf32, #tpu.memory_space<vmem>>, vector<1x16xf32>,
        %get3A_408 = arith.index_cast %add3A_397 : i32 to index
        %get3A_409 = arith.constant 16 : index
        %get3A_410 = tpu.vector_load %arg11[%get3A_408, %get3A_409] {strides = array<i32>} : memref<80x128xf32, #tpu.memory_space<vmem>>, vector<1x16xf32>,
        %get3A_411 = vector.shape_cast %get3A_410 : vector<1x16xf32> to vector<16xf32>
        %mul3A_412 = arith.mulf %get3A_411, %broadcast_in_dim3A_393 : vector<16xf32>
        %swap3A_413 = arith.index_cast %add3A_397 : i32 to index
        %swap3A_414 = arith.constant 16 : index
        %swap3A_415 = tpu.vector_load %arg11[%swap3A_413, %swap3A_414] {strides = array<i32>} : memref<80x128xf32, #tpu.memory_space<vmem>>, vector<1x16xf32>,
        %swap3A_416 = vector.shape_cast %swap3A_415 : vector<1x16xf32> to vector<16xf32>
        %swap3A_417 = vector.shape_cast %mul3A_412 : vector<16xf32> to vector<1x16xf32>
        tpu.vector_store %arg11[%swap3A_413, %swap3A_414], %swap3A_417 {strides = array<i32>} : memref<80x128xf32, #tpu.memory_space<vmem>>, vector<1x16xf32>,
        %get3A_418 = arith.index_cast %add3A_397 : i32 to index
        %get3A_419 = arith.constant 32 : index
        %get3A_420 = tpu.vector_load %arg11[%get3A_418, %get3A_419] {strides = array<i32>} : memref<80x128xf32, #tpu.memory_space<vmem>>, vector<1x16xf32>,
        %get3A_421 = vector.shape_cast %get3A_420 : vector<1x16xf32> to vector<16xf32>
        %mul3A_422 = arith.mulf %get3A_421, %broadcast_in_dim3A_393 : vector<16xf32>
        %swap3A_423 = arith.index_cast %add3A_397 : i32 to index
        %swap3A_424 = arith.constant 32 : index
        %swap3A_425 = tpu.vector_load %arg11[%swap3A_423, %swap3A_424] {strides = array<i32>} : memref<80x128xf32, #tpu.memory_space<vmem>>, vector<1x16xf32>,
        %swap3A_426 = vector.shape_cast %swap3A_425 : vector<1x16xf32> to vector<16xf32>
        %swap3A_427 = vector.shape_cast %mul3A_422 : vector<16xf32> to vector<1x16xf32>
        tpu.vector_store %arg11[%swap3A_423, %swap3A_424], %swap3A_427 {strides = array<i32>} : memref<80x128xf32, #tpu.memory_space<vmem>>, vector<1x16xf32>,
        %get3A_428 = arith.index_cast %add3A_397 : i32 to index
        %get3A_429 = arith.constant 48 : index
        %get3A_430 = tpu.vector_load %arg11[%get3A_428, %get3A_429] {strides = array<i32>} : memref<80x128xf32, #tpu.memory_space<vmem>>, vector<1x16xf32>,
        %get3A_431 = vector.shape_cast %get3A_430 : vector<1x16xf32> to vector<16xf32>
        %mul3A_432 = arith.mulf %get3A_431, %broadcast_in_dim3A_393 : vector<16xf32>
        %swap3A_433 = arith.index_cast %add3A_397 : i32 to index
        %swap3A_434 = arith.constant 48 : index
        %swap3A_435 = tpu.vector_load %arg11[%swap3A_433, %swap3A_434] {strides = array<i32>} : memref<80x128xf32, #tpu.memory_space<vmem>>, vector<1x16xf32>,
        %swap3A_436 = vector.shape_cast %swap3A_435 : vector<1x16xf32> to vector<16xf32>
        %swap3A_437 = vector.shape_cast %mul3A_432 : vector<16xf32> to vector<1x16xf32>
        tpu.vector_store %arg11[%swap3A_433, %swap3A_434], %swap3A_437 {strides = array<i32>} : memref<80x128xf32, #tpu.memory_space<vmem>>, vector<1x16xf32>,
        %get3A_438 = arith.index_cast %add3A_397 : i32 to index
        %get3A_439 = arith.constant 64 : index
        %get3A_440 = tpu.vector_load %arg11[%get3A_438, %get3A_439] {strides = array<i32>} : memref<80x128xf32, #tpu.memory_space<vmem>>, vector<1x16xf32>,
        %get3A_441 = vector.shape_cast %get3A_440 : vector<1x16xf32> to vector<16xf32>
        %mul3A_442 = arith.mulf %get3A_441, %broadcast_in_dim3A_393 : vector<16xf32>
        %swap3A_443 = arith.index_cast %add3A_397 : i32 to index
        %swap3A_444 = arith.constant 64 : index
        %swap3A_445 = tpu.vector_load %arg11[%swap3A_443, %swap3A_444] {strides = array<i32>} : memref<80x128xf32, #tpu.memory_space<vmem>>, vector<1x16xf32>,
        %swap3A_446 = vector.shape_cast %swap3A_445 : vector<1x16xf32> to vector<16xf32>
        %swap3A_447 = vector.shape_cast %mul3A_442 : vector<16xf32> to vector<1x16xf32>
        tpu.vector_store %arg11[%swap3A_443, %swap3A_444], %swap3A_447 {strides = array<i32>} : memref<80x128xf32, #tpu.memory_space<vmem>>, vector<1x16xf32>,
        %get3A_448 = arith.index_cast %add3A_397 : i32 to index
        %get3A_449 = arith.constant 80 : index
        %get3A_450 = tpu.vector_load %arg11[%get3A_448, %get3A_449] {strides = array<i32>} : memref<80x128xf32, #tpu.memory_space<vmem>>, vector<1x16xf32>,
        %get3A_451 = vector.shape_cast %get3A_450 : vector<1x16xf32> to vector<16xf32>
        %mul3A_452 = arith.mulf %get3A_451, %broadcast_in_dim3A_393 : vector<16xf32>
        %swap3A_453 = arith.index_cast %add3A_397 : i32 to index
        %swap3A_454 = arith.constant 80 : index
        %swap3A_455 = tpu.vector_load %arg11[%swap3A_453, %swap3A_454] {strides = array<i32>} : memref<80x128xf32, #tpu.memory_space<vmem>>, vector<1x16xf32>,
        %swap3A_456 = vector.shape_cast %swap3A_455 : vector<1x16xf32> to vector<16xf32>
        %swap3A_457 = vector.shape_cast %mul3A_452 : vector<16xf32> to vector<1x16xf32>
        tpu.vector_store %arg11[%swap3A_453, %swap3A_454], %swap3A_457 {strides = array<i32>} : memref<80x128xf32, #tpu.memory_space<vmem>>, vector<1x16xf32>,
        %get3A_458 = arith.index_cast %add3A_397 : i32 to index
        %get3A_459 = arith.constant 96 : index
        %get3A_460 = tpu.vector_load %arg11[%get3A_458, %get3A_459] {strides = array<i32>} : memref<80x128xf32, #tpu.memory_space<vmem>>, vector<1x16xf32>,
        %get3A_461 = vector.shape_cast %get3A_460 : vector<1x16xf32> to vector<16xf32>
        %mul3A_462 = arith.mulf %get3A_461, %broadcast_in_dim3A_393 : vector<16xf32>
        %swap3A_463 = arith.index_cast %add3A_397 : i32 to index
        %swap3A_464 = arith.constant 96 : index
        %swap3A_465 = tpu.vector_load %arg11[%swap3A_463, %swap3A_464] {strides = array<i32>} : memref<80x128xf32, #tpu.memory_space<vmem>>, vector<1x16xf32>,
        %swap3A_466 = vector.shape_cast %swap3A_465 : vector<1x16xf32> to vector<16xf32>
        %swap3A_467 = vector.shape_cast %mul3A_462 : vector<16xf32> to vector<1x16xf32>
        tpu.vector_store %arg11[%swap3A_463, %swap3A_464], %swap3A_467 {strides = array<i32>} : memref<80x128xf32, #tpu.memory_space<vmem>>, vector<1x16xf32>,
        %get3A_468 = arith.index_cast %add3A_397 : i32 to index
        %get3A_469 = arith.constant 112 : index
        %get3A_470 = tpu.vector_load %arg11[%get3A_468, %get3A_469] {strides = array<i32>} : memref<80x128xf32, #tpu.memory_space<vmem>>, vector<1x16xf32>,
        %get3A_471 = vector.shape_cast %get3A_470 : vector<1x16xf32> to vector<16xf32>
        %mul3A_472 = arith.mulf %get3A_471, %broadcast_in_dim3A_393 : vector<16xf32>
        %swap3A_473 = arith.index_cast %add3A_397 : i32 to index
        %swap3A_474 = arith.constant 112 : index
        %swap3A_475 = tpu.vector_load %arg11[%swap3A_473, %swap3A_474] {strides = array<i32>} : memref<80x128xf32, #tpu.memory_space<vmem>>, vector<1x16xf32>,
        %swap3A_476 = vector.shape_cast %swap3A_475 : vector<1x16xf32> to vector<16xf32>
        %swap3A_477 = vector.shape_cast %mul3A_472 : vector<16xf32> to vector<1x16xf32>
        tpu.vector_store %arg11[%swap3A_473, %swap3A_474], %swap3A_477 {strides = array<i32>} : memref<80x128xf32, #tpu.memory_space<vmem>>, vector<1x16xf32>,
        %slice3A_478 = vector.extract_strided_slice %get3A_46 {offsets = [5], sizes = [1], strides = [1]} : vector<16xf32> to vector<1xf32>
        %squeeze3A_479 = vector.extract %slice3A_478[0] : f32 from vector<1xf32>
        %broadcast_in_dim3A_480 = vector.broadcast %squeeze3A_479 : f32 to vector<16xf32>
        %mul3A_481 = arith.constant 16 : i32
        %mul3A_482 = arith.muli %scan3A_39, %mul3A_481 : i32
        %add3A_483 = arith.constant 5 : i32
        %add3A_484 = arith.addi %mul3A_482, %add3A_483 : i32
        %get3A_485 = arith.index_cast %add3A_484 : i32 to index
        %get3A_486 = arith.constant 0 : index
        %get3A_487 = tpu.vector_load %arg11[%get3A_485, %get3A_486] {strides = array<i32>} : memref<80x128xf32, #tpu.memory_space<vmem>>, vector<1x16xf32>,
        %get3A_488 = vector.shape_cast %get3A_487 : vector<1x16xf32> to vector<16xf32>
        %mul3A_489 = arith.mulf %get3A_488, %broadcast_in_dim3A_480 : vector<16xf32>
        %swap3A_490 = arith.index_cast %add3A_484 : i32 to index
        %swap3A_491 = arith.constant 0 : index
        %swap3A_492 = tpu.vector_load %arg11[%swap3A_490, %swap3A_491] {strides = array<i32>} : memref<80x128xf32, #tpu.memory_space<vmem>>, vector<1x16xf32>,
        %swap3A_493 = vector.shape_cast %swap3A_492 : vector<1x16xf32> to vector<16xf32>
        %swap3A_494 = vector.shape_cast %mul3A_489 : vector<16xf32> to vector<1x16xf32>
        tpu.vector_store %arg11[%swap3A_490, %swap3A_491], %swap3A_494 {strides = array<i32>} : memref<80x128xf32, #tpu.memory_space<vmem>>, vector<1x16xf32>,
        %get3A_495 = arith.index_cast %add3A_484 : i32 to index
        %get3A_496 = arith.constant 16 : index
        %get3A_497 = tpu.vector_load %arg11[%get3A_495, %get3A_496] {strides = array<i32>} : memref<80x128xf32, #tpu.memory_space<vmem>>, vector<1x16xf32>,
        %get3A_498 = vector.shape_cast %get3A_497 : vector<1x16xf32> to vector<16xf32>
        %mul3A_499 = arith.mulf %get3A_498, %broadcast_in_dim3A_480 : vector<16xf32>
        %swap3A_500 = arith.index_cast %add3A_484 : i32 to index
        %swap3A_501 = arith.constant 16 : index
        %swap3A_502 = tpu.vector_load %arg11[%swap3A_500, %swap3A_501] {strides = array<i32>} : memref<80x128xf32, #tpu.memory_space<vmem>>, vector<1x16xf32>,
        %swap3A_503 = vector.shape_cast %swap3A_502 : vector<1x16xf32> to vector<16xf32>
        %swap3A_504 = vector.shape_cast %mul3A_499 : vector<16xf32> to vector<1x16xf32>
        tpu.vector_store %arg11[%swap3A_500, %swap3A_501], %swap3A_504 {strides = array<i32>} : memref<80x128xf32, #tpu.memory_space<vmem>>, vector<1x16xf32>,
        %get3A_505 = arith.index_cast %add3A_484 : i32 to index
        %get3A_506 = arith.constant 32 : index
        %get3A_507 = tpu.vector_load %arg11[%get3A_505, %get3A_506] {strides = array<i32>} : memref<80x128xf32, #tpu.memory_space<vmem>>, vector<1x16xf32>,
        %get3A_508 = vector.shape_cast %get3A_507 : vector<1x16xf32> to vector<16xf32>
        %mul3A_509 = arith.mulf %get3A_508, %broadcast_in_dim3A_480 : vector<16xf32>
        %swap3A_510 = arith.index_cast %add3A_484 : i32 to index
        %swap3A_511 = arith.constant 32 : index
        %swap3A_512 = tpu.vector_load %arg11[%swap3A_510, %swap3A_511] {strides = array<i32>} : memref<80x128xf32, #tpu.memory_space<vmem>>, vector<1x16xf32>,
        %swap3A_513 = vector.shape_cast %swap3A_512 : vector<1x16xf32> to vector<16xf32>
        %swap3A_514 = vector.shape_cast %mul3A_509 : vector<16xf32> to vector<1x16xf32>
        tpu.vector_store %arg11[%swap3A_510, %swap3A_511], %swap3A_514 {strides = array<i32>} : memref<80x128xf32, #tpu.memory_space<vmem>>, vector<1x16xf32>,
        %get3A_515 = arith.index_cast %add3A_484 : i32 to index
        %get3A_516 = arith.constant 48 : index
        %get3A_517 = tpu.vector_load %arg11[%get3A_515, %get3A_516] {strides = array<i32>} : memref<80x128xf32, #tpu.memory_space<vmem>>, vector<1x16xf32>,
        %get3A_518 = vector.shape_cast %get3A_517 : vector<1x16xf32> to vector<16xf32>
        %mul3A_519 = arith.mulf %get3A_518, %broadcast_in_dim3A_480 : vector<16xf32>
        %swap3A_520 = arith.index_cast %add3A_484 : i32 to index
        %swap3A_521 = arith.constant 48 : index
        %swap3A_522 = tpu.vector_load %arg11[%swap3A_520, %swap3A_521] {strides = array<i32>} : memref<80x128xf32, #tpu.memory_space<vmem>>, vector<1x16xf32>,
        %swap3A_523 = vector.shape_cast %swap3A_522 : vector<1x16xf32> to vector<16xf32>
        %swap3A_524 = vector.shape_cast %mul3A_519 : vector<16xf32> to vector<1x16xf32>
        tpu.vector_store %arg11[%swap3A_520, %swap3A_521], %swap3A_524 {strides = array<i32>} : memref<80x128xf32, #tpu.memory_space<vmem>>, vector<1x16xf32>,
        %get3A_525 = arith.index_cast %add3A_484 : i32 to index
        %get3A_526 = arith.constant 64 : index
        %get3A_527 = tpu.vector_load %arg11[%get3A_525, %get3A_526] {strides = array<i32>} : memref<80x128xf32, #tpu.memory_space<vmem>>, vector<1x16xf32>,
        %get3A_528 = vector.shape_cast %get3A_527 : vector<1x16xf32> to vector<16xf32>
        %mul3A_529 = arith.mulf %get3A_528, %broadcast_in_dim3A_480 : vector<16xf32>
        %swap3A_530 = arith.index_cast %add3A_484 : i32 to index
        %swap3A_531 = arith.constant 64 : index
        %swap3A_532 = tpu.vector_load %arg11[%swap3A_530, %swap3A_531] {strides = array<i32>} : memref<80x128xf32, #tpu.memory_space<vmem>>, vector<1x16xf32>,
        %swap3A_533 = vector.shape_cast %swap3A_532 : vector<1x16xf32> to vector<16xf32>
        %swap3A_534 = vector.shape_cast %mul3A_529 : vector<16xf32> to vector<1x16xf32>
        tpu.vector_store %arg11[%swap3A_530, %swap3A_531], %swap3A_534 {strides = array<i32>} : memref<80x128xf32, #tpu.memory_space<vmem>>, vector<1x16xf32>,
        %get3A_535 = arith.index_cast %add3A_484 : i32 to index
        %get3A_536 = arith.constant 80 : index
        %get3A_537 = tpu.vector_load %arg11[%get3A_535, %get3A_536] {strides = array<i32>} : memref<80x128xf32, #tpu.memory_space<vmem>>, vector<1x16xf32>,
        %get3A_538 = vector.shape_cast %get3A_537 : vector<1x16xf32> to vector<16xf32>
        %mul3A_539 = arith.mulf %get3A_538, %broadcast_in_dim3A_480 : vector<16xf32>
        %swap3A_540 = arith.index_cast %add3A_484 : i32 to index
        %swap3A_541 = arith.constant 80 : index
        %swap3A_542 = tpu.vector_load %arg11[%swap3A_540, %swap3A_541] {strides = array<i32>} : memref<80x128xf32, #tpu.memory_space<vmem>>, vector<1x16xf32>,
        %swap3A_543 = vector.shape_cast %swap3A_542 : vector<1x16xf32> to vector<16xf32>
        %swap3A_544 = vector.shape_cast %mul3A_539 : vector<16xf32> to vector<1x16xf32>
        tpu.vector_store %arg11[%swap3A_540, %swap3A_541], %swap3A_544 {strides = array<i32>} : memref<80x128xf32, #tpu.memory_space<vmem>>, vector<1x16xf32>,
        %get3A_545 = arith.index_cast %add3A_484 : i32 to index
        %get3A_546 = arith.constant 96 : index
        %get3A_547 = tpu.vector_load %arg11[%get3A_545, %get3A_546] {strides = array<i32>} : memref<80x128xf32, #tpu.memory_space<vmem>>, vector<1x16xf32>,
        %get3A_548 = vector.shape_cast %get3A_547 : vector<1x16xf32> to vector<16xf32>
        %mul3A_549 = arith.mulf %get3A_548, %broadcast_in_dim3A_480 : vector<16xf32>
        %swap3A_550 = arith.index_cast %add3A_484 : i32 to index
        %swap3A_551 = arith.constant 96 : index
        %swap3A_552 = tpu.vector_load %arg11[%swap3A_550, %swap3A_551] {strides = array<i32>} : memref<80x128xf32, #tpu.memory_space<vmem>>, vector<1x16xf32>,
        %swap3A_553 = vector.shape_cast %swap3A_552 : vector<1x16xf32> to vector<16xf32>
        %swap3A_554 = vector.shape_cast %mul3A_549 : vector<16xf32> to vector<1x16xf32>
        tpu.vector_store %arg11[%swap3A_550, %swap3A_551], %swap3A_554 {strides = array<i32>} : memref<80x128xf32, #tpu.memory_space<vmem>>, vector<1x16xf32>,
        %get3A_555 = arith.index_cast %add3A_484 : i32 to index
        %get3A_556 = arith.constant 112 : index
        %get3A_557 = tpu.vector_load %arg11[%get3A_555, %get3A_556] {strides = array<i32>} : memref<80x128xf32, #tpu.memory_space<vmem>>, vector<1x16xf32>,
        %get3A_558 = vector.shape_cast %get3A_557 : vector<1x16xf32> to vector<16xf32>
        %mul3A_559 = arith.mulf %get3A_558, %broadcast_in_dim3A_480 : vector<16xf32>
        %swap3A_560 = arith.index_cast %add3A_484 : i32 to index
        %swap3A_561 = arith.constant 112 : index
        %swap3A_562 = tpu.vector_load %arg11[%swap3A_560, %swap3A_561] {strides = array<i32>} : memref<80x128xf32, #tpu.memory_space<vmem>>, vector<1x16xf32>,
        %swap3A_563 = vector.shape_cast %swap3A_562 : vector<1x16xf32> to vector<16xf32>
        %swap3A_564 = vector.shape_cast %mul3A_559 : vector<16xf32> to vector<1x16xf32>
        tpu.vector_store %arg11[%swap3A_560, %swap3A_561], %swap3A_564 {strides = array<i32>} : memref<80x128xf32, #tpu.memory_space<vmem>>, vector<1x16xf32>,
        %slice3A_565 = vector.extract_strided_slice %get3A_46 {offsets = [6], sizes = [1], strides = [1]} : vector<16xf32> to vector<1xf32>
        %squeeze3A_566 = vector.extract %slice3A_565[0] : f32 from vector<1xf32>
        %broadcast_in_dim3A_567 = vector.broadcast %squeeze3A_566 : f32 to vector<16xf32>
        %mul3A_568 = arith.constant 16 : i32
        %mul3A_569 = arith.muli %scan3A_39, %mul3A_568 : i32
        %add3A_570 = arith.constant 6 : i32
        %add3A_571 = arith.addi %mul3A_569, %add3A_570 : i32
        %get3A_572 = arith.index_cast %add3A_571 : i32 to index
        %get3A_573 = arith.constant 0 : index
        %get3A_574 = tpu.vector_load %arg11[%get3A_572, %get3A_573] {strides = array<i32>} : memref<80x128xf32, #tpu.memory_space<vmem>>, vector<1x16xf32>,
        %get3A_575 = vector.shape_cast %get3A_574 : vector<1x16xf32> to vector<16xf32>
        %mul3A_576 = arith.mulf %get3A_575, %broadcast_in_dim3A_567 : vector<16xf32>
        %swap3A_577 = arith.index_cast %add3A_571 : i32 to index
        %swap3A_578 = arith.constant 0 : index
        %swap3A_579 = tpu.vector_load %arg11[%swap3A_577, %swap3A_578] {strides = array<i32>} : memref<80x128xf32, #tpu.memory_space<vmem>>, vector<1x16xf32>,
        %swap3A_580 = vector.shape_cast %swap3A_579 : vector<1x16xf32> to vector<16xf32>
        %swap3A_581 = vector.shape_cast %mul3A_576 : vector<16xf32> to vector<1x16xf32>
        tpu.vector_store %arg11[%swap3A_577, %swap3A_578], %swap3A_581 {strides = array<i32>} : memref<80x128xf32, #tpu.memory_space<vmem>>, vector<1x16xf32>,
        %get3A_582 = arith.index_cast %add3A_571 : i32 to index
        %get3A_583 = arith.constant 16 : index
        %get3A_584 = tpu.vector_load %arg11[%get3A_582, %get3A_583] {strides = array<i32>} : memref<80x128xf32, #tpu.memory_space<vmem>>, vector<1x16xf32>,
        %get3A_585 = vector.shape_cast %get3A_584 : vector<1x16xf32> to vector<16xf32>
        %mul3A_586 = arith.mulf %get3A_585, %broadcast_in_dim3A_567 : vector<16xf32>
        %swap3A_587 = arith.index_cast %add3A_571 : i32 to index
        %swap3A_588 = arith.constant 16 : index
        %swap3A_589 = tpu.vector_load %arg11[%swap3A_587, %swap3A_588] {strides = array<i32>} : memref<80x128xf32, #tpu.memory_space<vmem>>, vector<1x16xf32>,
        %swap3A_590 = vector.shape_cast %swap3A_589 : vector<1x16xf32> to vector<16xf32>
        %swap3A_591 = vector.shape_cast %mul3A_586 : vector<16xf32> to vector<1x16xf32>
        tpu.vector_store %arg11[%swap3A_587, %swap3A_588], %swap3A_591 {strides = array<i32>} : memref<80x128xf32, #tpu.memory_space<vmem>>, vector<1x16xf32>,
        %get3A_592 = arith.index_cast %add3A_571 : i32 to index
        %get3A_593 = arith.constant 32 : index
        %get3A_594 = tpu.vector_load %arg11[%get3A_592, %get3A_593] {strides = array<i32>} : memref<80x128xf32, #tpu.memory_space<vmem>>, vector<1x16xf32>,
        %get3A_595 = vector.shape_cast %get3A_594 : vector<1x16xf32> to vector<16xf32>
        %mul3A_596 = arith.mulf %get3A_595, %broadcast_in_dim3A_567 : vector<16xf32>
        %swap3A_597 = arith.index_cast %add3A_571 : i32 to index
        %swap3A_598 = arith.constant 32 : index
        %swap3A_599 = tpu.vector_load %arg11[%swap3A_597, %swap3A_598] {strides = array<i32>} : memref<80x128xf32, #tpu.memory_space<vmem>>, vector<1x16xf32>,
        %swap3A_600 = vector.shape_cast %swap3A_599 : vector<1x16xf32> to vector<16xf32>
        %swap3A_601 = vector.shape_cast %mul3A_596 : vector<16xf32> to vector<1x16xf32>
        tpu.vector_store %arg11[%swap3A_597, %swap3A_598], %swap3A_601 {strides = array<i32>} : memref<80x128xf32, #tpu.memory_space<vmem>>, vector<1x16xf32>,
        %get3A_602 = arith.index_cast %add3A_571 : i32 to index
        %get3A_603 = arith.constant 48 : index
        %get3A_604 = tpu.vector_load %arg11[%get3A_602, %get3A_603] {strides = array<i32>} : memref<80x128xf32, #tpu.memory_space<vmem>>, vector<1x16xf32>,
        %get3A_605 = vector.shape_cast %get3A_604 : vector<1x16xf32> to vector<16xf32>
        %mul3A_606 = arith.mulf %get3A_605, %broadcast_in_dim3A_567 : vector<16xf32>
        %swap3A_607 = arith.index_cast %add3A_571 : i32 to index
        %swap3A_608 = arith.constant 48 : index
        %swap3A_609 = tpu.vector_load %arg11[%swap3A_607, %swap3A_608] {strides = array<i32>} : memref<80x128xf32, #tpu.memory_space<vmem>>, vector<1x16xf32>,
        %swap3A_610 = vector.shape_cast %swap3A_609 : vector<1x16xf32> to vector<16xf32>
        %swap3A_611 = vector.shape_cast %mul3A_606 : vector<16xf32> to vector<1x16xf32>
        tpu.vector_store %arg11[%swap3A_607, %swap3A_608], %swap3A_611 {strides = array<i32>} : memref<80x128xf32, #tpu.memory_space<vmem>>, vector<1x16xf32>,
        %get3A_612 = arith.index_cast %add3A_571 : i32 to index
        %get3A_613 = arith.constant 64 : index
        %get3A_614 = tpu.vector_load %arg11[%get3A_612, %get3A_613] {strides = array<i32>} : memref<80x128xf32, #tpu.memory_space<vmem>>, vector<1x16xf32>,
        %get3A_615 = vector.shape_cast %get3A_614 : vector<1x16xf32> to vector<16xf32>
        %mul3A_616 = arith.mulf %get3A_615, %broadcast_in_dim3A_567 : vector<16xf32>
        %swap3A_617 = arith.index_cast %add3A_571 : i32 to index
        %swap3A_618 = arith.constant 64 : index
        %swap3A_619 = tpu.vector_load %arg11[%swap3A_617, %swap3A_618] {strides = array<i32>} : memref<80x128xf32, #tpu.memory_space<vmem>>, vector<1x16xf32>,
        %swap3A_620 = vector.shape_cast %swap3A_619 : vector<1x16xf32> to vector<16xf32>
        %swap3A_621 = vector.shape_cast %mul3A_616 : vector<16xf32> to vector<1x16xf32>
        tpu.vector_store %arg11[%swap3A_617, %swap3A_618], %swap3A_621 {strides = array<i32>} : memref<80x128xf32, #tpu.memory_space<vmem>>, vector<1x16xf32>,
        %get3A_622 = arith.index_cast %add3A_571 : i32 to index
        %get3A_623 = arith.constant 80 : index
        %get3A_624 = tpu.vector_load %arg11[%get3A_622, %get3A_623] {strides = array<i32>} : memref<80x128xf32, #tpu.memory_space<vmem>>, vector<1x16xf32>,
        %get3A_625 = vector.shape_cast %get3A_624 : vector<1x16xf32> to vector<16xf32>
        %mul3A_626 = arith.mulf %get3A_625, %broadcast_in_dim3A_567 : vector<16xf32>
        %swap3A_627 = arith.index_cast %add3A_571 : i32 to index
        %swap3A_628 = arith.constant 80 : index
        %swap3A_629 = tpu.vector_load %arg11[%swap3A_627, %swap3A_628] {strides = array<i32>} : memref<80x128xf32, #tpu.memory_space<vmem>>, vector<1x16xf32>,
        %swap3A_630 = vector.shape_cast %swap3A_629 : vector<1x16xf32> to vector<16xf32>
        %swap3A_631 = vector.shape_cast %mul3A_626 : vector<16xf32> to vector<1x16xf32>
        tpu.vector_store %arg11[%swap3A_627, %swap3A_628], %swap3A_631 {strides = array<i32>} : memref<80x128xf32, #tpu.memory_space<vmem>>, vector<1x16xf32>,
        %get3A_632 = arith.index_cast %add3A_571 : i32 to index
        %get3A_633 = arith.constant 96 : index
        %get3A_634 = tpu.vector_load %arg11[%get3A_632, %get3A_633] {strides = array<i32>} : memref<80x128xf32, #tpu.memory_space<vmem>>, vector<1x16xf32>,
        %get3A_635 = vector.shape_cast %get3A_634 : vector<1x16xf32> to vector<16xf32>
        %mul3A_636 = arith.mulf %get3A_635, %broadcast_in_dim3A_567 : vector<16xf32>
        %swap3A_637 = arith.index_cast %add3A_571 : i32 to index
        %swap3A_638 = arith.constant 96 : index
        %swap3A_639 = tpu.vector_load %arg11[%swap3A_637, %swap3A_638] {strides = array<i32>} : memref<80x128xf32, #tpu.memory_space<vmem>>, vector<1x16xf32>,
        %swap3A_640 = vector.shape_cast %swap3A_639 : vector<1x16xf32> to vector<16xf32>
        %swap3A_641 = vector.shape_cast %mul3A_636 : vector<16xf32> to vector<1x16xf32>
        tpu.vector_store %arg11[%swap3A_637, %swap3A_638], %swap3A_641 {strides = array<i32>} : memref<80x128xf32, #tpu.memory_space<vmem>>, vector<1x16xf32>,
        %get3A_642 = arith.index_cast %add3A_571 : i32 to index
        %get3A_643 = arith.constant 112 : index
        %get3A_644 = tpu.vector_load %arg11[%get3A_642, %get3A_643] {strides = array<i32>} : memref<80x128xf32, #tpu.memory_space<vmem>>, vector<1x16xf32>,
        %get3A_645 = vector.shape_cast %get3A_644 : vector<1x16xf32> to vector<16xf32>
        %mul3A_646 = arith.mulf %get3A_645, %broadcast_in_dim3A_567 : vector<16xf32>
        %swap3A_647 = arith.index_cast %add3A_571 : i32 to index
        %swap3A_648 = arith.constant 112 : index
        %swap3A_649 = tpu.vector_load %arg11[%swap3A_647, %swap3A_648] {strides = array<i32>} : memref<80x128xf32, #tpu.memory_space<vmem>>, vector<1x16xf32>,
        %swap3A_650 = vector.shape_cast %swap3A_649 : vector<1x16xf32> to vector<16xf32>
        %swap3A_651 = vector.shape_cast %mul3A_646 : vector<16xf32> to vector<1x16xf32>
        tpu.vector_store %arg11[%swap3A_647, %swap3A_648], %swap3A_651 {strides = array<i32>} : memref<80x128xf32, #tpu.memory_space<vmem>>, vector<1x16xf32>,
        %slice3A_652 = vector.extract_strided_slice %get3A_46 {offsets = [7], sizes = [1], strides = [1]} : vector<16xf32> to vector<1xf32>
        %squeeze3A_653 = vector.extract %slice3A_652[0] : f32 from vector<1xf32>
        %broadcast_in_dim3A_654 = vector.broadcast %squeeze3A_653 : f32 to vector<16xf32>
        %mul3A_655 = arith.constant 16 : i32
        %mul3A_656 = arith.muli %scan3A_39, %mul3A_655 : i32
        %add3A_657 = arith.constant 7 : i32
        %add3A_658 = arith.addi %mul3A_656, %add3A_657 : i32
        %get3A_659 = arith.index_cast %add3A_658 : i32 to index
        %get3A_660 = arith.constant 0 : index
        %get3A_661 = tpu.vector_load %arg11[%get3A_659, %get3A_660] {strides = array<i32>} : memref<80x128xf32, #tpu.memory_space<vmem>>, vector<1x16xf32>,
        %get3A_662 = vector.shape_cast %get3A_661 : vector<1x16xf32> to vector<16xf32>
        %mul3A_663 = arith.mulf %get3A_662, %broadcast_in_dim3A_654 : vector<16xf32>
        %swap3A_664 = arith.index_cast %add3A_658 : i32 to index
        %swap3A_665 = arith.constant 0 : index
        %swap3A_666 = tpu.vector_load %arg11[%swap3A_664, %swap3A_665] {strides = array<i32>} : memref<80x128xf32, #tpu.memory_space<vmem>>, vector<1x16xf32>,
        %swap3A_667 = vector.shape_cast %swap3A_666 : vector<1x16xf32> to vector<16xf32>
        %swap3A_668 = vector.shape_cast %mul3A_663 : vector<16xf32> to vector<1x16xf32>
        tpu.vector_store %arg11[%swap3A_664, %swap3A_665], %swap3A_668 {strides = array<i32>} : memref<80x128xf32, #tpu.memory_space<vmem>>, vector<1x16xf32>,
        %get3A_669 = arith.index_cast %add3A_658 : i32 to index
        %get3A_670 = arith.constant 16 : index
        %get3A_671 = tpu.vector_load %arg11[%get3A_669, %get3A_670] {strides = array<i32>} : memref<80x128xf32, #tpu.memory_space<vmem>>, vector<1x16xf32>,
        %get3A_672 = vector.shape_cast %get3A_671 : vector<1x16xf32> to vector<16xf32>
        %mul3A_673 = arith.mulf %get3A_672, %broadcast_in_dim3A_654 : vector<16xf32>
        %swap3A_674 = arith.index_cast %add3A_658 : i32 to index
        %swap3A_675 = arith.constant 16 : index
        %swap3A_676 = tpu.vector_load %arg11[%swap3A_674, %swap3A_675] {strides = array<i32>} : memref<80x128xf32, #tpu.memory_space<vmem>>, vector<1x16xf32>,
        %swap3A_677 = vector.shape_cast %swap3A_676 : vector<1x16xf32> to vector<16xf32>
        %swap3A_678 = vector.shape_cast %mul3A_673 : vector<16xf32> to vector<1x16xf32>
        tpu.vector_store %arg11[%swap3A_674, %swap3A_675], %swap3A_678 {strides = array<i32>} : memref<80x128xf32, #tpu.memory_space<vmem>>, vector<1x16xf32>,
        %get3A_679 = arith.index_cast %add3A_658 : i32 to index
        %get3A_680 = arith.constant 32 : index
        %get3A_681 = tpu.vector_load %arg11[%get3A_679, %get3A_680] {strides = array<i32>} : memref<80x128xf32, #tpu.memory_space<vmem>>, vector<1x16xf32>,
        %get3A_682 = vector.shape_cast %get3A_681 : vector<1x16xf32> to vector<16xf32>
        %mul3A_683 = arith.mulf %get3A_682, %broadcast_in_dim3A_654 : vector<16xf32>
        %swap3A_684 = arith.index_cast %add3A_658 : i32 to index
        %swap3A_685 = arith.constant 32 : index
        %swap3A_686 = tpu.vector_load %arg11[%swap3A_684, %swap3A_685] {strides = array<i32>} : memref<80x128xf32, #tpu.memory_space<vmem>>, vector<1x16xf32>,
        %swap3A_687 = vector.shape_cast %swap3A_686 : vector<1x16xf32> to vector<16xf32>
        %swap3A_688 = vector.shape_cast %mul3A_683 : vector<16xf32> to vector<1x16xf32>
        tpu.vector_store %arg11[%swap3A_684, %swap3A_685], %swap3A_688 {strides = array<i32>} : memref<80x128xf32, #tpu.memory_space<vmem>>, vector<1x16xf32>,
        %get3A_689 = arith.index_cast %add3A_658 : i32 to index
        %get3A_690 = arith.constant 48 : index
        %get3A_691 = tpu.vector_load %arg11[%get3A_689, %get3A_690] {strides = array<i32>} : memref<80x128xf32, #tpu.memory_space<vmem>>, vector<1x16xf32>,
        %get3A_692 = vector.shape_cast %get3A_691 : vector<1x16xf32> to vector<16xf32>
        %mul3A_693 = arith.mulf %get3A_692, %broadcast_in_dim3A_654 : vector<16xf32>
        %swap3A_694 = arith.index_cast %add3A_658 : i32 to index
        %swap3A_695 = arith.constant 48 : index
        %swap3A_696 = tpu.vector_load %arg11[%swap3A_694, %swap3A_695] {strides = array<i32>} : memref<80x128xf32, #tpu.memory_space<vmem>>, vector<1x16xf32>,
        %swap3A_697 = vector.shape_cast %swap3A_696 : vector<1x16xf32> to vector<16xf32>
        %swap3A_698 = vector.shape_cast %mul3A_693 : vector<16xf32> to vector<1x16xf32>
        tpu.vector_store %arg11[%swap3A_694, %swap3A_695], %swap3A_698 {strides = array<i32>} : memref<80x128xf32, #tpu.memory_space<vmem>>, vector<1x16xf32>,
        %get3A_699 = arith.index_cast %add3A_658 : i32 to index
        %get3A_700 = arith.constant 64 : index
        %get3A_701 = tpu.vector_load %arg11[%get3A_699, %get3A_700] {strides = array<i32>} : memref<80x128xf32, #tpu.memory_space<vmem>>, vector<1x16xf32>,
        %get3A_702 = vector.shape_cast %get3A_701 : vector<1x16xf32> to vector<16xf32>
        %mul3A_703 = arith.mulf %get3A_702, %broadcast_in_dim3A_654 : vector<16xf32>
        %swap3A_704 = arith.index_cast %add3A_658 : i32 to index
        %swap3A_705 = arith.constant 64 : index
        %swap3A_706 = tpu.vector_load %arg11[%swap3A_704, %swap3A_705] {strides = array<i32>} : memref<80x128xf32, #tpu.memory_space<vmem>>, vector<1x16xf32>,
        %swap3A_707 = vector.shape_cast %swap3A_706 : vector<1x16xf32> to vector<16xf32>
        %swap3A_708 = vector.shape_cast %mul3A_703 : vector<16xf32> to vector<1x16xf32>
        tpu.vector_store %arg11[%swap3A_704, %swap3A_705], %swap3A_708 {strides = array<i32>} : memref<80x128xf32, #tpu.memory_space<vmem>>, vector<1x16xf32>,
        %get3A_709 = arith.index_cast %add3A_658 : i32 to index
        %get3A_710 = arith.constant 80 : index
        %get3A_711 = tpu.vector_load %arg11[%get3A_709, %get3A_710] {strides = array<i32>} : memref<80x128xf32, #tpu.memory_space<vmem>>, vector<1x16xf32>,
        %get3A_712 = vector.shape_cast %get3A_711 : vector<1x16xf32> to vector<16xf32>
        %mul3A_713 = arith.mulf %get3A_712, %broadcast_in_dim3A_654 : vector<16xf32>
        %swap3A_714 = arith.index_cast %add3A_658 : i32 to index
        %swap3A_715 = arith.constant 80 : index
        %swap3A_716 = tpu.vector_load %arg11[%swap3A_714, %swap3A_715] {strides = array<i32>} : memref<80x128xf32, #tpu.memory_space<vmem>>, vector<1x16xf32>,
        %swap3A_717 = vector.shape_cast %swap3A_716 : vector<1x16xf32> to vector<16xf32>
        %swap3A_718 = vector.shape_cast %mul3A_713 : vector<16xf32> to vector<1x16xf32>
        tpu.vector_store %arg11[%swap3A_714, %swap3A_715], %swap3A_718 {strides = array<i32>} : memref<80x128xf32, #tpu.memory_space<vmem>>, vector<1x16xf32>,
        %get3A_719 = arith.index_cast %add3A_658 : i32 to index
        %get3A_720 = arith.constant 96 : index
        %get3A_721 = tpu.vector_load %arg11[%get3A_719, %get3A_720] {strides = array<i32>} : memref<80x128xf32, #tpu.memory_space<vmem>>, vector<1x16xf32>,
        %get3A_722 = vector.shape_cast %get3A_721 : vector<1x16xf32> to vector<16xf32>
        %mul3A_723 = arith.mulf %get3A_722, %broadcast_in_dim3A_654 : vector<16xf32>
        %swap3A_724 = arith.index_cast %add3A_658 : i32 to index
        %swap3A_725 = arith.constant 96 : index
        %swap3A_726 = tpu.vector_load %arg11[%swap3A_724, %swap3A_725] {strides = array<i32>} : memref<80x128xf32, #tpu.memory_space<vmem>>, vector<1x16xf32>,
        %swap3A_727 = vector.shape_cast %swap3A_726 : vector<1x16xf32> to vector<16xf32>
        %swap3A_728 = vector.shape_cast %mul3A_723 : vector<16xf32> to vector<1x16xf32>
        tpu.vector_store %arg11[%swap3A_724, %swap3A_725], %swap3A_728 {strides = array<i32>} : memref<80x128xf32, #tpu.memory_space<vmem>>, vector<1x16xf32>,
        %get3A_729 = arith.index_cast %add3A_658 : i32 to index
        %get3A_730 = arith.constant 112 : index
        %get3A_731 = tpu.vector_load %arg11[%get3A_729, %get3A_730] {strides = array<i32>} : memref<80x128xf32, #tpu.memory_space<vmem>>, vector<1x16xf32>,
        %get3A_732 = vector.shape_cast %get3A_731 : vector<1x16xf32> to vector<16xf32>
        %mul3A_733 = arith.mulf %get3A_732, %broadcast_in_dim3A_654 : vector<16xf32>
        %swap3A_734 = arith.index_cast %add3A_658 : i32 to index
        %swap3A_735 = arith.constant 112 : index
        %swap3A_736 = tpu.vector_load %arg11[%swap3A_734, %swap3A_735] {strides = array<i32>} : memref<80x128xf32, #tpu.memory_space<vmem>>, vector<1x16xf32>,
        %swap3A_737 = vector.shape_cast %swap3A_736 : vector<1x16xf32> to vector<16xf32>
        %swap3A_738 = vector.shape_cast %mul3A_733 : vector<16xf32> to vector<1x16xf32>
        tpu.vector_store %arg11[%swap3A_734, %swap3A_735], %swap3A_738 {strides = array<i32>} : memref<80x128xf32, #tpu.memory_space<vmem>>, vector<1x16xf32>,
        %slice3A_739 = vector.extract_strided_slice %get3A_46 {offsets = [8], sizes = [1], strides = [1]} : vector<16xf32> to vector<1xf32>
        %squeeze3A_740 = vector.extract %slice3A_739[0] : f32 from vector<1xf32>
        %broadcast_in_dim3A_741 = vector.broadcast %squeeze3A_740 : f32 to vector<16xf32>
        %mul3A_742 = arith.constant 16 : i32
        %mul3A_743 = arith.muli %scan3A_39, %mul3A_742 : i32
        %add3A_744 = arith.constant 8 : i32
        %add3A_745 = arith.addi %mul3A_743, %add3A_744 : i32
        %get3A_746 = arith.index_cast %add3A_745 : i32 to index
        %get3A_747 = arith.constant 0 : index
        %get3A_748 = tpu.vector_load %arg11[%get3A_746, %get3A_747] {strides = array<i32>} : memref<80x128xf32, #tpu.memory_space<vmem>>, vector<1x16xf32>,
        %get3A_749 = vector.shape_cast %get3A_748 : vector<1x16xf32> to vector<16xf32>
        %mul3A_750 = arith.mulf %get3A_749, %broadcast_in_dim3A_741 : vector<16xf32>
        %swap3A_751 = arith.index_cast %add3A_745 : i32 to index
        %swap3A_752 = arith.constant 0 : index
        %swap3A_753 = tpu.vector_load %arg11[%swap3A_751, %swap3A_752] {strides = array<i32>} : memref<80x128xf32, #tpu.memory_space<vmem>>, vector<1x16xf32>,
        %swap3A_754 = vector.shape_cast %swap3A_753 : vector<1x16xf32> to vector<16xf32>
        %swap3A_755 = vector.shape_cast %mul3A_750 : vector<16xf32> to vector<1x16xf32>
        tpu.vector_store %arg11[%swap3A_751, %swap3A_752], %swap3A_755 {strides = array<i32>} : memref<80x128xf32, #tpu.memory_space<vmem>>, vector<1x16xf32>,
        %get3A_756 = arith.index_cast %add3A_745 : i32 to index
        %get3A_757 = arith.constant 16 : index
        %get3A_758 = tpu.vector_load %arg11[%get3A_756, %get3A_757] {strides = array<i32>} : memref<80x128xf32, #tpu.memory_space<vmem>>, vector<1x16xf32>,
        %get3A_759 = vector.shape_cast %get3A_758 : vector<1x16xf32> to vector<16xf32>
        %mul3A_760 = arith.mulf %get3A_759, %broadcast_in_dim3A_741 : vector<16xf32>
        %swap3A_761 = arith.index_cast %add3A_745 : i32 to index
        %swap3A_762 = arith.constant 16 : index
        %swap3A_763 = tpu.vector_load %arg11[%swap3A_761, %swap3A_762] {strides = array<i32>} : memref<80x128xf32, #tpu.memory_space<vmem>>, vector<1x16xf32>,
        %swap3A_764 = vector.shape_cast %swap3A_763 : vector<1x16xf32> to vector<16xf32>
        %swap3A_765 = vector.shape_cast %mul3A_760 : vector<16xf32> to vector<1x16xf32>
        tpu.vector_store %arg11[%swap3A_761, %swap3A_762], %swap3A_765 {strides = array<i32>} : memref<80x128xf32, #tpu.memory_space<vmem>>, vector<1x16xf32>,
        %get3A_766 = arith.index_cast %add3A_745 : i32 to index
        %get3A_767 = arith.constant 32 : index
        %get3A_768 = tpu.vector_load %arg11[%get3A_766, %get3A_767] {strides = array<i32>} : memref<80x128xf32, #tpu.memory_space<vmem>>, vector<1x16xf32>,
        %get3A_769 = vector.shape_cast %get3A_768 : vector<1x16xf32> to vector<16xf32>
        %mul3A_770 = arith.mulf %get3A_769, %broadcast_in_dim3A_741 : vector<16xf32>
        %swap3A_771 = arith.index_cast %add3A_745 : i32 to index
        %swap3A_772 = arith.constant 32 : index
        %swap3A_773 = tpu.vector_load %arg11[%swap3A_771, %swap3A_772] {strides = array<i32>} : memref<80x128xf32, #tpu.memory_space<vmem>>, vector<1x16xf32>,
        %swap3A_774 = vector.shape_cast %swap3A_773 : vector<1x16xf32> to vector<16xf32>
        %swap3A_775 = vector.shape_cast %mul3A_770 : vector<16xf32> to vector<1x16xf32>
        tpu.vector_store %arg11[%swap3A_771, %swap3A_772], %swap3A_775 {strides = array<i32>} : memref<80x128xf32, #tpu.memory_space<vmem>>, vector<1x16xf32>,
        %get3A_776 = arith.index_cast %add3A_745 : i32 to index
        %get3A_777 = arith.constant 48 : index
        %get3A_778 = tpu.vector_load %arg11[%get3A_776, %get3A_777] {strides = array<i32>} : memref<80x128xf32, #tpu.memory_space<vmem>>, vector<1x16xf32>,
        %get3A_779 = vector.shape_cast %get3A_778 : vector<1x16xf32> to vector<16xf32>
        %mul3A_780 = arith.mulf %get3A_779, %broadcast_in_dim3A_741 : vector<16xf32>
        %swap3A_781 = arith.index_cast %add3A_745 : i32 to index
        %swap3A_782 = arith.constant 48 : index
        %swap3A_783 = tpu.vector_load %arg11[%swap3A_781, %swap3A_782] {strides = array<i32>} : memref<80x128xf32, #tpu.memory_space<vmem>>, vector<1x16xf32>,
        %swap3A_784 = vector.shape_cast %swap3A_783 : vector<1x16xf32> to vector<16xf32>
        %swap3A_785 = vector.shape_cast %mul3A_780 : vector<16xf32> to vector<1x16xf32>
        tpu.vector_store %arg11[%swap3A_781, %swap3A_782], %swap3A_785 {strides = array<i32>} : memref<80x128xf32, #tpu.memory_space<vmem>>, vector<1x16xf32>,
        %get3A_786 = arith.index_cast %add3A_745 : i32 to index
        %get3A_787 = arith.constant 64 : index
        %get3A_788 = tpu.vector_load %arg11[%get3A_786, %get3A_787] {strides = array<i32>} : memref<80x128xf32, #tpu.memory_space<vmem>>, vector<1x16xf32>,
        %get3A_789 = vector.shape_cast %get3A_788 : vector<1x16xf32> to vector<16xf32>
        %mul3A_790 = arith.mulf %get3A_789, %broadcast_in_dim3A_741 : vector<16xf32>
        %swap3A_791 = arith.index_cast %add3A_745 : i32 to index
        %swap3A_792 = arith.constant 64 : index
        %swap3A_793 = tpu.vector_load %arg11[%swap3A_791, %swap3A_792] {strides = array<i32>} : memref<80x128xf32, #tpu.memory_space<vmem>>, vector<1x16xf32>,
        %swap3A_794 = vector.shape_cast %swap3A_793 : vector<1x16xf32> to vector<16xf32>
        %swap3A_795 = vector.shape_cast %mul3A_790 : vector<16xf32> to vector<1x16xf32>
        tpu.vector_store %arg11[%swap3A_791, %swap3A_792], %swap3A_795 {strides = array<i32>} : memref<80x128xf32, #tpu.memory_space<vmem>>, vector<1x16xf32>,
        %get3A_796 = arith.index_cast %add3A_745 : i32 to index
        %get3A_797 = arith.constant 80 : index
        %get3A_798 = tpu.vector_load %arg11[%get3A_796, %get3A_797] {strides = array<i32>} : memref<80x128xf32, #tpu.memory_space<vmem>>, vector<1x16xf32>,
        %get3A_799 = vector.shape_cast %get3A_798 : vector<1x16xf32> to vector<16xf32>
        %mul3A_800 = arith.mulf %get3A_799, %broadcast_in_dim3A_741 : vector<16xf32>
        %swap3A_801 = arith.index_cast %add3A_745 : i32 to index
        %swap3A_802 = arith.constant 80 : index
        %swap3A_803 = tpu.vector_load %arg11[%swap3A_801, %swap3A_802] {strides = array<i32>} : memref<80x128xf32, #tpu.memory_space<vmem>>, vector<1x16xf32>,
        %swap3A_804 = vector.shape_cast %swap3A_803 : vector<1x16xf32> to vector<16xf32>
        %swap3A_805 = vector.shape_cast %mul3A_800 : vector<16xf32> to vector<1x16xf32>
        tpu.vector_store %arg11[%swap3A_801, %swap3A_802], %swap3A_805 {strides = array<i32>} : memref<80x128xf32, #tpu.memory_space<vmem>>, vector<1x16xf32>,
        %get3A_806 = arith.index_cast %add3A_745 : i32 to index
        %get3A_807 = arith.constant 96 : index
        %get3A_808 = tpu.vector_load %arg11[%get3A_806, %get3A_807] {strides = array<i32>} : memref<80x128xf32, #tpu.memory_space<vmem>>, vector<1x16xf32>,
        %get3A_809 = vector.shape_cast %get3A_808 : vector<1x16xf32> to vector<16xf32>
        %mul3A_810 = arith.mulf %get3A_809, %broadcast_in_dim3A_741 : vector<16xf32>
        %swap3A_811 = arith.index_cast %add3A_745 : i32 to index
        %swap3A_812 = arith.constant 96 : index
        %swap3A_813 = tpu.vector_load %arg11[%swap3A_811, %swap3A_812] {strides = array<i32>} : memref<80x128xf32, #tpu.memory_space<vmem>>, vector<1x16xf32>,
        %swap3A_814 = vector.shape_cast %swap3A_813 : vector<1x16xf32> to vector<16xf32>
        %swap3A_815 = vector.shape_cast %mul3A_810 : vector<16xf32> to vector<1x16xf32>
        tpu.vector_store %arg11[%swap3A_811, %swap3A_812], %swap3A_815 {strides = array<i32>} : memref<80x128xf32, #tpu.memory_space<vmem>>, vector<1x16xf32>,
        %get3A_816 = arith.index_cast %add3A_745 : i32 to index
        %get3A_817 = arith.constant 112 : index
        %get3A_818 = tpu.vector_load %arg11[%get3A_816, %get3A_817] {strides = array<i32>} : memref<80x128xf32, #tpu.memory_space<vmem>>, vector<1x16xf32>,
        %get3A_819 = vector.shape_cast %get3A_818 : vector<1x16xf32> to vector<16xf32>
        %mul3A_820 = arith.mulf %get3A_819, %broadcast_in_dim3A_741 : vector<16xf32>
        %swap3A_821 = arith.index_cast %add3A_745 : i32 to index
        %swap3A_822 = arith.constant 112 : index
        %swap3A_823 = tpu.vector_load %arg11[%swap3A_821, %swap3A_822] {strides = array<i32>} : memref<80x128xf32, #tpu.memory_space<vmem>>, vector<1x16xf32>,
        %swap3A_824 = vector.shape_cast %swap3A_823 : vector<1x16xf32> to vector<16xf32>
        %swap3A_825 = vector.shape_cast %mul3A_820 : vector<16xf32> to vector<1x16xf32>
        tpu.vector_store %arg11[%swap3A_821, %swap3A_822], %swap3A_825 {strides = array<i32>} : memref<80x128xf32, #tpu.memory_space<vmem>>, vector<1x16xf32>,
        %slice3A_826 = vector.extract_strided_slice %get3A_46 {offsets = [9], sizes = [1], strides = [1]} : vector<16xf32> to vector<1xf32>
        %squeeze3A_827 = vector.extract %slice3A_826[0] : f32 from vector<1xf32>
        %broadcast_in_dim3A_828 = vector.broadcast %squeeze3A_827 : f32 to vector<16xf32>
        %mul3A_829 = arith.constant 16 : i32
        %mul3A_830 = arith.muli %scan3A_39, %mul3A_829 : i32
        %add3A_831 = arith.constant 9 : i32
        %add3A_832 = arith.addi %mul3A_830, %add3A_831 : i32
        %get3A_833 = arith.index_cast %add3A_832 : i32 to index
        %get3A_834 = arith.constant 0 : index
        %get3A_835 = tpu.vector_load %arg11[%get3A_833, %get3A_834] {strides = array<i32>} : memref<80x128xf32, #tpu.memory_space<vmem>>, vector<1x16xf32>,
        %get3A_836 = vector.shape_cast %get3A_835 : vector<1x16xf32> to vector<16xf32>
        %mul3A_837 = arith.mulf %get3A_836, %broadcast_in_dim3A_828 : vector<16xf32>
        %swap3A_838 = arith.index_cast %add3A_832 : i32 to index
        %swap3A_839 = arith.constant 0 : index
        %swap3A_840 = tpu.vector_load %arg11[%swap3A_838, %swap3A_839] {strides = array<i32>} : memref<80x128xf32, #tpu.memory_space<vmem>>, vector<1x16xf32>,
        %swap3A_841 = vector.shape_cast %swap3A_840 : vector<1x16xf32> to vector<16xf32>
        %swap3A_842 = vector.shape_cast %mul3A_837 : vector<16xf32> to vector<1x16xf32>
        tpu.vector_store %arg11[%swap3A_838, %swap3A_839], %swap3A_842 {strides = array<i32>} : memref<80x128xf32, #tpu.memory_space<vmem>>, vector<1x16xf32>,
        %get3A_843 = arith.index_cast %add3A_832 : i32 to index
        %get3A_844 = arith.constant 16 : index
        %get3A_845 = tpu.vector_load %arg11[%get3A_843, %get3A_844] {strides = array<i32>} : memref<80x128xf32, #tpu.memory_space<vmem>>, vector<1x16xf32>,
        %get3A_846 = vector.shape_cast %get3A_845 : vector<1x16xf32> to vector<16xf32>
        %mul3A_847 = arith.mulf %get3A_846, %broadcast_in_dim3A_828 : vector<16xf32>
        %swap3A_848 = arith.index_cast %add3A_832 : i32 to index
        %swap3A_849 = arith.constant 16 : index
        %swap3A_850 = tpu.vector_load %arg11[%swap3A_848, %swap3A_849] {strides = array<i32>} : memref<80x128xf32, #tpu.memory_space<vmem>>, vector<1x16xf32>,
        %swap3A_851 = vector.shape_cast %swap3A_850 : vector<1x16xf32> to vector<16xf32>
        %swap3A_852 = vector.shape_cast %mul3A_847 : vector<16xf32> to vector<1x16xf32>
        tpu.vector_store %arg11[%swap3A_848, %swap3A_849], %swap3A_852 {strides = array<i32>} : memref<80x128xf32, #tpu.memory_space<vmem>>, vector<1x16xf32>,
        %get3A_853 = arith.index_cast %add3A_832 : i32 to index
        %get3A_854 = arith.constant 32 : index
        %get3A_855 = tpu.vector_load %arg11[%get3A_853, %get3A_854] {strides = array<i32>} : memref<80x128xf32, #tpu.memory_space<vmem>>, vector<1x16xf32>,
        %get3A_856 = vector.shape_cast %get3A_855 : vector<1x16xf32> to vector<16xf32>
        %mul3A_857 = arith.mulf %get3A_856, %broadcast_in_dim3A_828 : vector<16xf32>
        %swap3A_858 = arith.index_cast %add3A_832 : i32 to index
        %swap3A_859 = arith.constant 32 : index
        %swap3A_860 = tpu.vector_load %arg11[%swap3A_858, %swap3A_859] {strides = array<i32>} : memref<80x128xf32, #tpu.memory_space<vmem>>, vector<1x16xf32>,
        %swap3A_861 = vector.shape_cast %swap3A_860 : vector<1x16xf32> to vector<16xf32>
        %swap3A_862 = vector.shape_cast %mul3A_857 : vector<16xf32> to vector<1x16xf32>
        tpu.vector_store %arg11[%swap3A_858, %swap3A_859], %swap3A_862 {strides = array<i32>} : memref<80x128xf32, #tpu.memory_space<vmem>>, vector<1x16xf32>,
        %get3A_863 = arith.index_cast %add3A_832 : i32 to index
        %get3A_864 = arith.constant 48 : index
        %get3A_865 = tpu.vector_load %arg11[%get3A_863, %get3A_864] {strides = array<i32>} : memref<80x128xf32, #tpu.memory_space<vmem>>, vector<1x16xf32>,
        %get3A_866 = vector.shape_cast %get3A_865 : vector<1x16xf32> to vector<16xf32>
        %mul3A_867 = arith.mulf %get3A_866, %broadcast_in_dim3A_828 : vector<16xf32>
        %swap3A_868 = arith.index_cast %add3A_832 : i32 to index
        %swap3A_869 = arith.constant 48 : index
        %swap3A_870 = tpu.vector_load %arg11[%swap3A_868, %swap3A_869] {strides = array<i32>} : memref<80x128xf32, #tpu.memory_space<vmem>>, vector<1x16xf32>,
        %swap3A_871 = vector.shape_cast %swap3A_870 : vector<1x16xf32> to vector<16xf32>
        %swap3A_872 = vector.shape_cast %mul3A_867 : vector<16xf32> to vector<1x16xf32>
        tpu.vector_store %arg11[%swap3A_868, %swap3A_869], %swap3A_872 {strides = array<i32>} : memref<80x128xf32, #tpu.memory_space<vmem>>, vector<1x16xf32>,
        %get3A_873 = arith.index_cast %add3A_832 : i32 to index
        %get3A_874 = arith.constant 64 : index
        %get3A_875 = tpu.vector_load %arg11[%get3A_873, %get3A_874] {strides = array<i32>} : memref<80x128xf32, #tpu.memory_space<vmem>>, vector<1x16xf32>,
        %get3A_876 = vector.shape_cast %get3A_875 : vector<1x16xf32> to vector<16xf32>
        %mul3A_877 = arith.mulf %get3A_876, %broadcast_in_dim3A_828 : vector<16xf32>
        %swap3A_878 = arith.index_cast %add3A_832 : i32 to index
        %swap3A_879 = arith.constant 64 : index
        %swap3A_880 = tpu.vector_load %arg11[%swap3A_878, %swap3A_879] {strides = array<i32>} : memref<80x128xf32, #tpu.memory_space<vmem>>, vector<1x16xf32>,
        %swap3A_881 = vector.shape_cast %swap3A_880 : vector<1x16xf32> to vector<16xf32>
        %swap3A_882 = vector.shape_cast %mul3A_877 : vector<16xf32> to vector<1x16xf32>
        tpu.vector_store %arg11[%swap3A_878, %swap3A_879], %swap3A_882 {strides = array<i32>} : memref<80x128xf32, #tpu.memory_space<vmem>>, vector<1x16xf32>,
        %get3A_883 = arith.index_cast %add3A_832 : i32 to index
        %get3A_884 = arith.constant 80 : index
        %get3A_885 = tpu.vector_load %arg11[%get3A_883, %get3A_884] {strides = array<i32>} : memref<80x128xf32, #tpu.memory_space<vmem>>, vector<1x16xf32>,
        %get3A_886 = vector.shape_cast %get3A_885 : vector<1x16xf32> to vector<16xf32>
        %mul3A_887 = arith.mulf %get3A_886, %broadcast_in_dim3A_828 : vector<16xf32>
        %swap3A_888 = arith.index_cast %add3A_832 : i32 to index
        %swap3A_889 = arith.constant 80 : index
        %swap3A_890 = tpu.vector_load %arg11[%swap3A_888, %swap3A_889] {strides = array<i32>} : memref<80x128xf32, #tpu.memory_space<vmem>>, vector<1x16xf32>,
        %swap3A_891 = vector.shape_cast %swap3A_890 : vector<1x16xf32> to vector<16xf32>
        %swap3A_892 = vector.shape_cast %mul3A_887 : vector<16xf32> to vector<1x16xf32>
        tpu.vector_store %arg11[%swap3A_888, %swap3A_889], %swap3A_892 {strides = array<i32>} : memref<80x128xf32, #tpu.memory_space<vmem>>, vector<1x16xf32>,
        %get3A_893 = arith.index_cast %add3A_832 : i32 to index
        %get3A_894 = arith.constant 96 : index
        %get3A_895 = tpu.vector_load %arg11[%get3A_893, %get3A_894] {strides = array<i32>} : memref<80x128xf32, #tpu.memory_space<vmem>>, vector<1x16xf32>,
        %get3A_896 = vector.shape_cast %get3A_895 : vector<1x16xf32> to vector<16xf32>
        %mul3A_897 = arith.mulf %get3A_896, %broadcast_in_dim3A_828 : vector<16xf32>
        %swap3A_898 = arith.index_cast %add3A_832 : i32 to index
        %swap3A_899 = arith.constant 96 : index
        %swap3A_900 = tpu.vector_load %arg11[%swap3A_898, %swap3A_899] {strides = array<i32>} : memref<80x128xf32, #tpu.memory_space<vmem>>, vector<1x16xf32>,
        %swap3A_901 = vector.shape_cast %swap3A_900 : vector<1x16xf32> to vector<16xf32>
        %swap3A_902 = vector.shape_cast %mul3A_897 : vector<16xf32> to vector<1x16xf32>
        tpu.vector_store %arg11[%swap3A_898, %swap3A_899], %swap3A_902 {strides = array<i32>} : memref<80x128xf32, #tpu.memory_space<vmem>>, vector<1x16xf32>,
        %get3A_903 = arith.index_cast %add3A_832 : i32 to index
        %get3A_904 = arith.constant 112 : index
        %get3A_905 = tpu.vector_load %arg11[%get3A_903, %get3A_904] {strides = array<i32>} : memref<80x128xf32, #tpu.memory_space<vmem>>, vector<1x16xf32>,
        %get3A_906 = vector.shape_cast %get3A_905 : vector<1x16xf32> to vector<16xf32>
        %mul3A_907 = arith.mulf %get3A_906, %broadcast_in_dim3A_828 : vector<16xf32>
        %swap3A_908 = arith.index_cast %add3A_832 : i32 to index
        %swap3A_909 = arith.constant 112 : index
        %swap3A_910 = tpu.vector_load %arg11[%swap3A_908, %swap3A_909] {strides = array<i32>} : memref<80x128xf32, #tpu.memory_space<vmem>>, vector<1x16xf32>,
        %swap3A_911 = vector.shape_cast %swap3A_910 : vector<1x16xf32> to vector<16xf32>
        %swap3A_912 = vector.shape_cast %mul3A_907 : vector<16xf32> to vector<1x16xf32>
        tpu.vector_store %arg11[%swap3A_908, %swap3A_909], %swap3A_912 {strides = array<i32>} : memref<80x128xf32, #tpu.memory_space<vmem>>, vector<1x16xf32>,
        %slice3A_913 = vector.extract_strided_slice %get3A_46 {offsets = [10], sizes = [1], strides = [1]} : vector<16xf32> to vector<1xf32>
        %squeeze3A_914 = vector.extract %slice3A_913[0] : f32 from vector<1xf32>
        %broadcast_in_dim3A_915 = vector.broadcast %squeeze3A_914 : f32 to vector<16xf32>
        %mul3A_916 = arith.constant 16 : i32
        %mul3A_917 = arith.muli %scan3A_39, %mul3A_916 : i32
        %add3A_918 = arith.constant 10 : i32
        %add3A_919 = arith.addi %mul3A_917, %add3A_918 : i32
        %get3A_920 = arith.index_cast %add3A_919 : i32 to index
        %get3A_921 = arith.constant 0 : index
        %get3A_922 = tpu.vector_load %arg11[%get3A_920, %get3A_921] {strides = array<i32>} : memref<80x128xf32, #tpu.memory_space<vmem>>, vector<1x16xf32>,
        %get3A_923 = vector.shape_cast %get3A_922 : vector<1x16xf32> to vector<16xf32>
        %mul3A_924 = arith.mulf %get3A_923, %broadcast_in_dim3A_915 : vector<16xf32>
        %swap3A_925 = arith.index_cast %add3A_919 : i32 to index
        %swap3A_926 = arith.constant 0 : index
        %swap3A_927 = tpu.vector_load %arg11[%swap3A_925, %swap3A_926] {strides = array<i32>} : memref<80x128xf32, #tpu.memory_space<vmem>>, vector<1x16xf32>,
        %swap3A_928 = vector.shape_cast %swap3A_927 : vector<1x16xf32> to vector<16xf32>
        %swap3A_929 = vector.shape_cast %mul3A_924 : vector<16xf32> to vector<1x16xf32>
        tpu.vector_store %arg11[%swap3A_925, %swap3A_926], %swap3A_929 {strides = array<i32>} : memref<80x128xf32, #tpu.memory_space<vmem>>, vector<1x16xf32>,
        %get3A_930 = arith.index_cast %add3A_919 : i32 to index
        %get3A_931 = arith.constant 16 : index
        %get3A_932 = tpu.vector_load %arg11[%get3A_930, %get3A_931] {strides = array<i32>} : memref<80x128xf32, #tpu.memory_space<vmem>>, vector<1x16xf32>,
        %get3A_933 = vector.shape_cast %get3A_932 : vector<1x16xf32> to vector<16xf32>
        %mul3A_934 = arith.mulf %get3A_933, %broadcast_in_dim3A_915 : vector<16xf32>
        %swap3A_935 = arith.index_cast %add3A_919 : i32 to index
        %swap3A_936 = arith.constant 16 : index
        %swap3A_937 = tpu.vector_load %arg11[%swap3A_935, %swap3A_936] {strides = array<i32>} : memref<80x128xf32, #tpu.memory_space<vmem>>, vector<1x16xf32>,
        %swap3A_938 = vector.shape_cast %swap3A_937 : vector<1x16xf32> to vector<16xf32>
        %swap3A_939 = vector.shape_cast %mul3A_934 : vector<16xf32> to vector<1x16xf32>
        tpu.vector_store %arg11[%swap3A_935, %swap3A_936], %swap3A_939 {strides = array<i32>} : memref<80x128xf32, #tpu.memory_space<vmem>>, vector<1x16xf32>,
        %get3A_940 = arith.index_cast %add3A_919 : i32 to index
        %get3A_941 = arith.constant 32 : index
        %get3A_942 = tpu.vector_load %arg11[%get3A_940, %get3A_941] {strides = array<i32>} : memref<80x128xf32, #tpu.memory_space<vmem>>, vector<1x16xf32>,
        %get3A_943 = vector.shape_cast %get3A_942 : vector<1x16xf32> to vector<16xf32>
        %mul3A_944 = arith.mulf %get3A_943, %broadcast_in_dim3A_915 : vector<16xf32>
        %swap3A_945 = arith.index_cast %add3A_919 : i32 to index
        %swap3A_946 = arith.constant 32 : index
        %swap3A_947 = tpu.vector_load %arg11[%swap3A_945, %swap3A_946] {strides = array<i32>} : memref<80x128xf32, #tpu.memory_space<vmem>>, vector<1x16xf32>,
        %swap3A_948 = vector.shape_cast %swap3A_947 : vector<1x16xf32> to vector<16xf32>
        %swap3A_949 = vector.shape_cast %mul3A_944 : vector<16xf32> to vector<1x16xf32>
        tpu.vector_store %arg11[%swap3A_945, %swap3A_946], %swap3A_949 {strides = array<i32>} : memref<80x128xf32, #tpu.memory_space<vmem>>, vector<1x16xf32>,
        %get3A_950 = arith.index_cast %add3A_919 : i32 to index
        %get3A_951 = arith.constant 48 : index
        %get3A_952 = tpu.vector_load %arg11[%get3A_950, %get3A_951] {strides = array<i32>} : memref<80x128xf32, #tpu.memory_space<vmem>>, vector<1x16xf32>,
        %get3A_953 = vector.shape_cast %get3A_952 : vector<1x16xf32> to vector<16xf32>
        %mul3A_954 = arith.mulf %get3A_953, %broadcast_in_dim3A_915 : vector<16xf32>
        %swap3A_955 = arith.index_cast %add3A_919 : i32 to index
        %swap3A_956 = arith.constant 48 : index
        %swap3A_957 = tpu.vector_load %arg11[%swap3A_955, %swap3A_956] {strides = array<i32>} : memref<80x128xf32, #tpu.memory_space<vmem>>, vector<1x16xf32>,
        %swap3A_958 = vector.shape_cast %swap3A_957 : vector<1x16xf32> to vector<16xf32>
        %swap3A_959 = vector.shape_cast %mul3A_954 : vector<16xf32> to vector<1x16xf32>
        tpu.vector_store %arg11[%swap3A_955, %swap3A_956], %swap3A_959 {strides = array<i32>} : memref<80x128xf32, #tpu.memory_space<vmem>>, vector<1x16xf32>,
        %get3A_960 = arith.index_cast %add3A_919 : i32 to index
        %get3A_961 = arith.constant 64 : index
        %get3A_962 = tpu.vector_load %arg11[%get3A_960, %get3A_961] {strides = array<i32>} : memref<80x128xf32, #tpu.memory_space<vmem>>, vector<1x16xf32>,
        %get3A_963 = vector.shape_cast %get3A_962 : vector<1x16xf32> to vector<16xf32>
        %mul3A_964 = arith.mulf %get3A_963, %broadcast_in_dim3A_915 : vector<16xf32>
        %swap3A_965 = arith.index_cast %add3A_919 : i32 to index
        %swap3A_966 = arith.constant 64 : index
        %swap3A_967 = tpu.vector_load %arg11[%swap3A_965, %swap3A_966] {strides = array<i32>} : memref<80x128xf32, #tpu.memory_space<vmem>>, vector<1x16xf32>,
        %swap3A_968 = vector.shape_cast %swap3A_967 : vector<1x16xf32> to vector<16xf32>
        %swap3A_969 = vector.shape_cast %mul3A_964 : vector<16xf32> to vector<1x16xf32>
        tpu.vector_store %arg11[%swap3A_965, %swap3A_966], %swap3A_969 {strides = array<i32>} : memref<80x128xf32, #tpu.memory_space<vmem>>, vector<1x16xf32>,
        %get3A_970 = arith.index_cast %add3A_919 : i32 to index
        %get3A_971 = arith.constant 80 : index
        %get3A_972 = tpu.vector_load %arg11[%get3A_970, %get3A_971] {strides = array<i32>} : memref<80x128xf32, #tpu.memory_space<vmem>>, vector<1x16xf32>,
        %get3A_973 = vector.shape_cast %get3A_972 : vector<1x16xf32> to vector<16xf32>
        %mul3A_974 = arith.mulf %get3A_973, %broadcast_in_dim3A_915 : vector<16xf32>
        %swap3A_975 = arith.index_cast %add3A_919 : i32 to index
        %swap3A_976 = arith.constant 80 : index
        %swap3A_977 = tpu.vector_load %arg11[%swap3A_975, %swap3A_976] {strides = array<i32>} : memref<80x128xf32, #tpu.memory_space<vmem>>, vector<1x16xf32>,
        %swap3A_978 = vector.shape_cast %swap3A_977 : vector<1x16xf32> to vector<16xf32>
        %swap3A_979 = vector.shape_cast %mul3A_974 : vector<16xf32> to vector<1x16xf32>
        tpu.vector_store %arg11[%swap3A_975, %swap3A_976], %swap3A_979 {strides = array<i32>} : memref<80x128xf32, #tpu.memory_space<vmem>>, vector<1x16xf32>,
        %get3A_980 = arith.index_cast %add3A_919 : i32 to index
        %get3A_981 = arith.constant 96 : index
        %get3A_982 = tpu.vector_load %arg11[%get3A_980, %get3A_981] {strides = array<i32>} : memref<80x128xf32, #tpu.memory_space<vmem>>, vector<1x16xf32>,
        %get3A_983 = vector.shape_cast %get3A_982 : vector<1x16xf32> to vector<16xf32>
        %mul3A_984 = arith.mulf %get3A_983, %broadcast_in_dim3A_915 : vector<16xf32>
        %swap3A_985 = arith.index_cast %add3A_919 : i32 to index
        %swap3A_986 = arith.constant 96 : index
        %swap3A_987 = tpu.vector_load %arg11[%swap3A_985, %swap3A_986] {strides = array<i32>} : memref<80x128xf32, #tpu.memory_space<vmem>>, vector<1x16xf32>,
        %swap3A_988 = vector.shape_cast %swap3A_987 : vector<1x16xf32> to vector<16xf32>
        %swap3A_989 = vector.shape_cast %mul3A_984 : vector<16xf32> to vector<1x16xf32>
        tpu.vector_store %arg11[%swap3A_985, %swap3A_986], %swap3A_989 {strides = array<i32>} : memref<80x128xf32, #tpu.memory_space<vmem>>, vector<1x16xf32>,
        %get3A_990 = arith.index_cast %add3A_919 : i32 to index
        %get3A_991 = arith.constant 112 : index
        %get3A_992 = tpu.vector_load %arg11[%get3A_990, %get3A_991] {strides = array<i32>} : memref<80x128xf32, #tpu.memory_space<vmem>>, vector<1x16xf32>,
        %get3A_993 = vector.shape_cast %get3A_992 : vector<1x16xf32> to vector<16xf32>
        %mul3A_994 = arith.mulf %get3A_993, %broadcast_in_dim3A_915 : vector<16xf32>
        %swap3A_995 = arith.index_cast %add3A_919 : i32 to index
        %swap3A_996 = arith.constant 112 : index
        %swap3A_997 = tpu.vector_load %arg11[%swap3A_995, %swap3A_996] {strides = array<i32>} : memref<80x128xf32, #tpu.memory_space<vmem>>, vector<1x16xf32>,
        %swap3A_998 = vector.shape_cast %swap3A_997 : vector<1x16xf32> to vector<16xf32>
        %swap3A_999 = vector.shape_cast %mul3A_994 : vector<16xf32> to vector<1x16xf32>
        tpu.vector_store %arg11[%swap3A_995, %swap3A_996], %swap3A_999 {strides = array<i32>} : memref<80x128xf32, #tpu.memory_space<vmem>>, vector<1x16xf32>,
        %slice3A_1000 = vector.extract_strided_slice %get3A_46 {offsets = [11], sizes = [1], strides = [1]} : vector<16xf32> to vector<1xf32>
        %squeeze3A_1001 = vector.extract %slice3A_1000[0] : f32 from vector<1xf32>
        %broadcast_in_dim3A_1002 = vector.broadcast %squeeze3A_1001 : f32 to vector<16xf32>
        %mul3A_1003 = arith.constant 16 : i32
        %mul3A_1004 = arith.muli %scan3A_39, %mul3A_1003 : i32
        %add3A_1005 = arith.constant 11 : i32
        %add3A_1006 = arith.addi %mul3A_1004, %add3A_1005 : i32
        %get3A_1007 = arith.index_cast %add3A_1006 : i32 to index
        %get3A_1008 = arith.constant 0 : index
        %get3A_1009 = tpu.vector_load %arg11[%get3A_1007, %get3A_1008] {strides = array<i32>} : memref<80x128xf32, #tpu.memory_space<vmem>>, vector<1x16xf32>,
        %get3A_1010 = vector.shape_cast %get3A_1009 : vector<1x16xf32> to vector<16xf32>
        %mul3A_1011 = arith.mulf %get3A_1010, %broadcast_in_dim3A_1002 : vector<16xf32>
        %swap3A_1012 = arith.index_cast %add3A_1006 : i32 to index
        %swap3A_1013 = arith.constant 0 : index
        %swap3A_1014 = tpu.vector_load %arg11[%swap3A_1012, %swap3A_1013] {strides = array<i32>} : memref<80x128xf32, #tpu.memory_space<vmem>>, vector<1x16xf32>,
        %swap3A_1015 = vector.shape_cast %swap3A_1014 : vector<1x16xf32> to vector<16xf32>
        %swap3A_1016 = vector.shape_cast %mul3A_1011 : vector<16xf32> to vector<1x16xf32>
        tpu.vector_store %arg11[%swap3A_1012, %swap3A_1013], %swap3A_1016 {strides = array<i32>} : memref<80x128xf32, #tpu.memory_space<vmem>>, vector<1x16xf32>,
        %get3A_1017 = arith.index_cast %add3A_1006 : i32 to index
        %get3A_1018 = arith.constant 16 : index
        %get3A_1019 = tpu.vector_load %arg11[%get3A_1017, %get3A_1018] {strides = array<i32>} : memref<80x128xf32, #tpu.memory_space<vmem>>, vector<1x16xf32>,
        %get3A_1020 = vector.shape_cast %get3A_1019 : vector<1x16xf32> to vector<16xf32>
        %mul3A_1021 = arith.mulf %get3A_1020, %broadcast_in_dim3A_1002 : vector<16xf32>
        %swap3A_1022 = arith.index_cast %add3A_1006 : i32 to index
        %swap3A_1023 = arith.constant 16 : index
        %swap3A_1024 = tpu.vector_load %arg11[%swap3A_1022, %swap3A_1023] {strides = array<i32>} : memref<80x128xf32, #tpu.memory_space<vmem>>, vector<1x16xf32>,
        %swap3A_1025 = vector.shape_cast %swap3A_1024 : vector<1x16xf32> to vector<16xf32>
        %swap3A_1026 = vector.shape_cast %mul3A_1021 : vector<16xf32> to vector<1x16xf32>
        tpu.vector_store %arg11[%swap3A_1022, %swap3A_1023], %swap3A_1026 {strides = array<i32>} : memref<80x128xf32, #tpu.memory_space<vmem>>, vector<1x16xf32>,
        %get3A_1027 = arith.index_cast %add3A_1006 : i32 to index
        %get3A_1028 = arith.constant 32 : index
        %get3A_1029 = tpu.vector_load %arg11[%get3A_1027, %get3A_1028] {strides = array<i32>} : memref<80x128xf32, #tpu.memory_space<vmem>>, vector<1x16xf32>,
        %get3A_1030 = vector.shape_cast %get3A_1029 : vector<1x16xf32> to vector<16xf32>
        %mul3A_1031 = arith.mulf %get3A_1030, %broadcast_in_dim3A_1002 : vector<16xf32>
        %swap3A_1032 = arith.index_cast %add3A_1006 : i32 to index
        %swap3A_1033 = arith.constant 32 : index
        %swap3A_1034 = tpu.vector_load %arg11[%swap3A_1032, %swap3A_1033] {strides = array<i32>} : memref<80x128xf32, #tpu.memory_space<vmem>>, vector<1x16xf32>,
        %swap3A_1035 = vector.shape_cast %swap3A_1034 : vector<1x16xf32> to vector<16xf32>
        %swap3A_1036 = vector.shape_cast %mul3A_1031 : vector<16xf32> to vector<1x16xf32>
        tpu.vector_store %arg11[%swap3A_1032, %swap3A_1033], %swap3A_1036 {strides = array<i32>} : memref<80x128xf32, #tpu.memory_space<vmem>>, vector<1x16xf32>,
        %get3A_1037 = arith.index_cast %add3A_1006 : i32 to index
        %get3A_1038 = arith.constant 48 : index
        %get3A_1039 = tpu.vector_load %arg11[%get3A_1037, %get3A_1038] {strides = array<i32>} : memref<80x128xf32, #tpu.memory_space<vmem>>, vector<1x16xf32>,
        %get3A_1040 = vector.shape_cast %get3A_1039 : vector<1x16xf32> to vector<16xf32>
        %mul3A_1041 = arith.mulf %get3A_1040, %broadcast_in_dim3A_1002 : vector<16xf32>
        %swap3A_1042 = arith.index_cast %add3A_1006 : i32 to index
        %swap3A_1043 = arith.constant 48 : index
        %swap3A_1044 = tpu.vector_load %arg11[%swap3A_1042, %swap3A_1043] {strides = array<i32>} : memref<80x128xf32, #tpu.memory_space<vmem>>, vector<1x16xf32>,
        %swap3A_1045 = vector.shape_cast %swap3A_1044 : vector<1x16xf32> to vector<16xf32>
        %swap3A_1046 = vector.shape_cast %mul3A_1041 : vector<16xf32> to vector<1x16xf32>
        tpu.vector_store %arg11[%swap3A_1042, %swap3A_1043], %swap3A_1046 {strides = array<i32>} : memref<80x128xf32, #tpu.memory_space<vmem>>, vector<1x16xf32>,
        %get3A_1047 = arith.index_cast %add3A_1006 : i32 to index
        %get3A_1048 = arith.constant 64 : index
        %get3A_1049 = tpu.vector_load %arg11[%get3A_1047, %get3A_1048] {strides = array<i32>} : memref<80x128xf32, #tpu.memory_space<vmem>>, vector<1x16xf32>,
        %get3A_1050 = vector.shape_cast %get3A_1049 : vector<1x16xf32> to vector<16xf32>
        %mul3A_1051 = arith.mulf %get3A_1050, %broadcast_in_dim3A_1002 : vector<16xf32>
        %swap3A_1052 = arith.index_cast %add3A_1006 : i32 to index
        %swap3A_1053 = arith.constant 64 : index
        %swap3A_1054 = tpu.vector_load %arg11[%swap3A_1052, %swap3A_1053] {strides = array<i32>} : memref<80x128xf32, #tpu.memory_space<vmem>>, vector<1x16xf32>,
        %swap3A_1055 = vector.shape_cast %swap3A_1054 : vector<1x16xf32> to vector<16xf32>
        %swap3A_1056 = vector.shape_cast %mul3A_1051 : vector<16xf32> to vector<1x16xf32>
        tpu.vector_store %arg11[%swap3A_1052, %swap3A_1053], %swap3A_1056 {strides = array<i32>} : memref<80x128xf32, #tpu.memory_space<vmem>>, vector<1x16xf32>,
        %get3A_1057 = arith.index_cast %add3A_1006 : i32 to index
        %get3A_1058 = arith.constant 80 : index
        %get3A_1059 = tpu.vector_load %arg11[%get3A_1057, %get3A_1058] {strides = array<i32>} : memref<80x128xf32, #tpu.memory_space<vmem>>, vector<1x16xf32>,
        %get3A_1060 = vector.shape_cast %get3A_1059 : vector<1x16xf32> to vector<16xf32>
        %mul3A_1061 = arith.mulf %get3A_1060, %broadcast_in_dim3A_1002 : vector<16xf32>
        %swap3A_1062 = arith.index_cast %add3A_1006 : i32 to index
        %swap3A_1063 = arith.constant 80 : index
        %swap3A_1064 = tpu.vector_load %arg11[%swap3A_1062, %swap3A_1063] {strides = array<i32>} : memref<80x128xf32, #tpu.memory_space<vmem>>, vector<1x16xf32>,
        %swap3A_1065 = vector.shape_cast %swap3A_1064 : vector<1x16xf32> to vector<16xf32>
        %swap3A_1066 = vector.shape_cast %mul3A_1061 : vector<16xf32> to vector<1x16xf32>
        tpu.vector_store %arg11[%swap3A_1062, %swap3A_1063], %swap3A_1066 {strides = array<i32>} : memref<80x128xf32, #tpu.memory_space<vmem>>, vector<1x16xf32>,
        %get3A_1067 = arith.index_cast %add3A_1006 : i32 to index
        %get3A_1068 = arith.constant 96 : index
        %get3A_1069 = tpu.vector_load %arg11[%get3A_1067, %get3A_1068] {strides = array<i32>} : memref<80x128xf32, #tpu.memory_space<vmem>>, vector<1x16xf32>,
        %get3A_1070 = vector.shape_cast %get3A_1069 : vector<1x16xf32> to vector<16xf32>
        %mul3A_1071 = arith.mulf %get3A_1070, %broadcast_in_dim3A_1002 : vector<16xf32>
        %swap3A_1072 = arith.index_cast %add3A_1006 : i32 to index
        %swap3A_1073 = arith.constant 96 : index
        %swap3A_1074 = tpu.vector_load %arg11[%swap3A_1072, %swap3A_1073] {strides = array<i32>} : memref<80x128xf32, #tpu.memory_space<vmem>>, vector<1x16xf32>,
        %swap3A_1075 = vector.shape_cast %swap3A_1074 : vector<1x16xf32> to vector<16xf32>
        %swap3A_1076 = vector.shape_cast %mul3A_1071 : vector<16xf32> to vector<1x16xf32>
        tpu.vector_store %arg11[%swap3A_1072, %swap3A_1073], %swap3A_1076 {strides = array<i32>} : memref<80x128xf32, #tpu.memory_space<vmem>>, vector<1x16xf32>,
        %get3A_1077 = arith.index_cast %add3A_1006 : i32 to index
        %get3A_1078 = arith.constant 112 : index
        %get3A_1079 = tpu.vector_load %arg11[%get3A_1077, %get3A_1078] {strides = array<i32>} : memref<80x128xf32, #tpu.memory_space<vmem>>, vector<1x16xf32>,
        %get3A_1080 = vector.shape_cast %get3A_1079 : vector<1x16xf32> to vector<16xf32>
        %mul3A_1081 = arith.mulf %get3A_1080, %broadcast_in_dim3A_1002 : vector<16xf32>
        %swap3A_1082 = arith.index_cast %add3A_1006 : i32 to index
        %swap3A_1083 = arith.constant 112 : index
        %swap3A_1084 = tpu.vector_load %arg11[%swap3A_1082, %swap3A_1083] {strides = array<i32>} : memref<80x128xf32, #tpu.memory_space<vmem>>, vector<1x16xf32>,
        %swap3A_1085 = vector.shape_cast %swap3A_1084 : vector<1x16xf32> to vector<16xf32>
        %swap3A_1086 = vector.shape_cast %mul3A_1081 : vector<16xf32> to vector<1x16xf32>
        tpu.vector_store %arg11[%swap3A_1082, %swap3A_1083], %swap3A_1086 {strides = array<i32>} : memref<80x128xf32, #tpu.memory_space<vmem>>, vector<1x16xf32>,
        %slice3A_1087 = vector.extract_strided_slice %get3A_46 {offsets = [12], sizes = [1], strides = [1]} : vector<16xf32> to vector<1xf32>
        %squeeze3A_1088 = vector.extract %slice3A_1087[0] : f32 from vector<1xf32>
        %broadcast_in_dim3A_1089 = vector.broadcast %squeeze3A_1088 : f32 to vector<16xf32>
        %mul3A_1090 = arith.constant 16 : i32
        %mul3A_1091 = arith.muli %scan3A_39, %mul3A_1090 : i32
        %add3A_1092 = arith.constant 12 : i32
        %add3A_1093 = arith.addi %mul3A_1091, %add3A_1092 : i32
        %get3A_1094 = arith.index_cast %add3A_1093 : i32 to index
        %get3A_1095 = arith.constant 0 : index
        %get3A_1096 = tpu.vector_load %arg11[%get3A_1094, %get3A_1095] {strides = array<i32>} : memref<80x128xf32, #tpu.memory_space<vmem>>, vector<1x16xf32>,
        %get3A_1097 = vector.shape_cast %get3A_1096 : vector<1x16xf32> to vector<16xf32>
        %mul3A_1098 = arith.mulf %get3A_1097, %broadcast_in_dim3A_1089 : vector<16xf32>
        %swap3A_1099 = arith.index_cast %add3A_1093 : i32 to index
        %swap3A_1100 = arith.constant 0 : index
        %swap3A_1101 = tpu.vector_load %arg11[%swap3A_1099, %swap3A_1100] {strides = array<i32>} : memref<80x128xf32, #tpu.memory_space<vmem>>, vector<1x16xf32>,
        %swap3A_1102 = vector.shape_cast %swap3A_1101 : vector<1x16xf32> to vector<16xf32>
        %swap3A_1103 = vector.shape_cast %mul3A_1098 : vector<16xf32> to vector<1x16xf32>
        tpu.vector_store %arg11[%swap3A_1099, %swap3A_1100], %swap3A_1103 {strides = array<i32>} : memref<80x128xf32, #tpu.memory_space<vmem>>, vector<1x16xf32>,
        %get3A_1104 = arith.index_cast %add3A_1093 : i32 to index
        %get3A_1105 = arith.constant 16 : index
        %get3A_1106 = tpu.vector_load %arg11[%get3A_1104, %get3A_1105] {strides = array<i32>} : memref<80x128xf32, #tpu.memory_space<vmem>>, vector<1x16xf32>,
        %get3A_1107 = vector.shape_cast %get3A_1106 : vector<1x16xf32> to vector<16xf32>
        %mul3A_1108 = arith.mulf %get3A_1107, %broadcast_in_dim3A_1089 : vector<16xf32>
        %swap3A_1109 = arith.index_cast %add3A_1093 : i32 to index
        %swap3A_1110 = arith.constant 16 : index
        %swap3A_1111 = tpu.vector_load %arg11[%swap3A_1109, %swap3A_1110] {strides = array<i32>} : memref<80x128xf32, #tpu.memory_space<vmem>>, vector<1x16xf32>,
        %swap3A_1112 = vector.shape_cast %swap3A_1111 : vector<1x16xf32> to vector<16xf32>
        %swap3A_1113 = vector.shape_cast %mul3A_1108 : vector<16xf32> to vector<1x16xf32>
        tpu.vector_store %arg11[%swap3A_1109, %swap3A_1110], %swap3A_1113 {strides = array<i32>} : memref<80x128xf32, #tpu.memory_space<vmem>>, vector<1x16xf32>,
        %get3A_1114 = arith.index_cast %add3A_1093 : i32 to index
        %get3A_1115 = arith.constant 32 : index
        %get3A_1116 = tpu.vector_load %arg11[%get3A_1114, %get3A_1115] {strides = array<i32>} : memref<80x128xf32, #tpu.memory_space<vmem>>, vector<1x16xf32>,
        %get3A_1117 = vector.shape_cast %get3A_1116 : vector<1x16xf32> to vector<16xf32>
        %mul3A_1118 = arith.mulf %get3A_1117, %broadcast_in_dim3A_1089 : vector<16xf32>
        %swap3A_1119 = arith.index_cast %add3A_1093 : i32 to index
        %swap3A_1120 = arith.constant 32 : index
        %swap3A_1121 = tpu.vector_load %arg11[%swap3A_1119, %swap3A_1120] {strides = array<i32>} : memref<80x128xf32, #tpu.memory_space<vmem>>, vector<1x16xf32>,
        %swap3A_1122 = vector.shape_cast %swap3A_1121 : vector<1x16xf32> to vector<16xf32>
        %swap3A_1123 = vector.shape_cast %mul3A_1118 : vector<16xf32> to vector<1x16xf32>
        tpu.vector_store %arg11[%swap3A_1119, %swap3A_1120], %swap3A_1123 {strides = array<i32>} : memref<80x128xf32, #tpu.memory_space<vmem>>, vector<1x16xf32>,
        %get3A_1124 = arith.index_cast %add3A_1093 : i32 to index
        %get3A_1125 = arith.constant 48 : index
        %get3A_1126 = tpu.vector_load %arg11[%get3A_1124, %get3A_1125] {strides = array<i32>} : memref<80x128xf32, #tpu.memory_space<vmem>>, vector<1x16xf32>,
        %get3A_1127 = vector.shape_cast %get3A_1126 : vector<1x16xf32> to vector<16xf32>
        %mul3A_1128 = arith.mulf %get3A_1127, %broadcast_in_dim3A_1089 : vector<16xf32>
        %swap3A_1129 = arith.index_cast %add3A_1093 : i32 to index
        %swap3A_1130 = arith.constant 48 : index
        %swap3A_1131 = tpu.vector_load %arg11[%swap3A_1129, %swap3A_1130] {strides = array<i32>} : memref<80x128xf32, #tpu.memory_space<vmem>>, vector<1x16xf32>,
        %swap3A_1132 = vector.shape_cast %swap3A_1131 : vector<1x16xf32> to vector<16xf32>
        %swap3A_1133 = vector.shape_cast %mul3A_1128 : vector<16xf32> to vector<1x16xf32>
        tpu.vector_store %arg11[%swap3A_1129, %swap3A_1130], %swap3A_1133 {strides = array<i32>} : memref<80x128xf32, #tpu.memory_space<vmem>>, vector<1x16xf32>,
        %get3A_1134 = arith.index_cast %add3A_1093 : i32 to index
        %get3A_1135 = arith.constant 64 : index
        %get3A_1136 = tpu.vector_load %arg11[%get3A_1134, %get3A_1135] {strides = array<i32>} : memref<80x128xf32, #tpu.memory_space<vmem>>, vector<1x16xf32>,
        %get3A_1137 = vector.shape_cast %get3A_1136 : vector<1x16xf32> to vector<16xf32>
        %mul3A_1138 = arith.mulf %get3A_1137, %broadcast_in_dim3A_1089 : vector<16xf32>
        %swap3A_1139 = arith.index_cast %add3A_1093 : i32 to index
        %swap3A_1140 = arith.constant 64 : index
        %swap3A_1141 = tpu.vector_load %arg11[%swap3A_1139, %swap3A_1140] {strides = array<i32>} : memref<80x128xf32, #tpu.memory_space<vmem>>, vector<1x16xf32>,
        %swap3A_1142 = vector.shape_cast %swap3A_1141 : vector<1x16xf32> to vector<16xf32>
        %swap3A_1143 = vector.shape_cast %mul3A_1138 : vector<16xf32> to vector<1x16xf32>
        tpu.vector_store %arg11[%swap3A_1139, %swap3A_1140], %swap3A_1143 {strides = array<i32>} : memref<80x128xf32, #tpu.memory_space<vmem>>, vector<1x16xf32>,
        %get3A_1144 = arith.index_cast %add3A_1093 : i32 to index
        %get3A_1145 = arith.constant 80 : index
        %get3A_1146 = tpu.vector_load %arg11[%get3A_1144, %get3A_1145] {strides = array<i32>} : memref<80x128xf32, #tpu.memory_space<vmem>>, vector<1x16xf32>,
        %get3A_1147 = vector.shape_cast %get3A_1146 : vector<1x16xf32> to vector<16xf32>
        %mul3A_1148 = arith.mulf %get3A_1147, %broadcast_in_dim3A_1089 : vector<16xf32>
        %swap3A_1149 = arith.index_cast %add3A_1093 : i32 to index
        %swap3A_1150 = arith.constant 80 : index
        %swap3A_1151 = tpu.vector_load %arg11[%swap3A_1149, %swap3A_1150] {strides = array<i32>} : memref<80x128xf32, #tpu.memory_space<vmem>>, vector<1x16xf32>,
        %swap3A_1152 = vector.shape_cast %swap3A_1151 : vector<1x16xf32> to vector<16xf32>
        %swap3A_1153 = vector.shape_cast %mul3A_1148 : vector<16xf32> to vector<1x16xf32>
        tpu.vector_store %arg11[%swap3A_1149, %swap3A_1150], %swap3A_1153 {strides = array<i32>} : memref<80x128xf32, #tpu.memory_space<vmem>>, vector<1x16xf32>,
        %get3A_1154 = arith.index_cast %add3A_1093 : i32 to index
        %get3A_1155 = arith.constant 96 : index
        %get3A_1156 = tpu.vector_load %arg11[%get3A_1154, %get3A_1155] {strides = array<i32>} : memref<80x128xf32, #tpu.memory_space<vmem>>, vector<1x16xf32>,
        %get3A_1157 = vector.shape_cast %get3A_1156 : vector<1x16xf32> to vector<16xf32>
        %mul3A_1158 = arith.mulf %get3A_1157, %broadcast_in_dim3A_1089 : vector<16xf32>
        %swap3A_1159 = arith.index_cast %add3A_1093 : i32 to index
        %swap3A_1160 = arith.constant 96 : index
        %swap3A_1161 = tpu.vector_load %arg11[%swap3A_1159, %swap3A_1160] {strides = array<i32>} : memref<80x128xf32, #tpu.memory_space<vmem>>, vector<1x16xf32>,
        %swap3A_1162 = vector.shape_cast %swap3A_1161 : vector<1x16xf32> to vector<16xf32>
        %swap3A_1163 = vector.shape_cast %mul3A_1158 : vector<16xf32> to vector<1x16xf32>
        tpu.vector_store %arg11[%swap3A_1159, %swap3A_1160], %swap3A_1163 {strides = array<i32>} : memref<80x128xf32, #tpu.memory_space<vmem>>, vector<1x16xf32>,
        %get3A_1164 = arith.index_cast %add3A_1093 : i32 to index
        %get3A_1165 = arith.constant 112 : index
        %get3A_1166 = tpu.vector_load %arg11[%get3A_1164, %get3A_1165] {strides = array<i32>} : memref<80x128xf32, #tpu.memory_space<vmem>>, vector<1x16xf32>,
        %get3A_1167 = vector.shape_cast %get3A_1166 : vector<1x16xf32> to vector<16xf32>
        %mul3A_1168 = arith.mulf %get3A_1167, %broadcast_in_dim3A_1089 : vector<16xf32>
        %swap3A_1169 = arith.index_cast %add3A_1093 : i32 to index
        %swap3A_1170 = arith.constant 112 : index
        %swap3A_1171 = tpu.vector_load %arg11[%swap3A_1169, %swap3A_1170] {strides = array<i32>} : memref<80x128xf32, #tpu.memory_space<vmem>>, vector<1x16xf32>,
        %swap3A_1172 = vector.shape_cast %swap3A_1171 : vector<1x16xf32> to vector<16xf32>
        %swap3A_1173 = vector.shape_cast %mul3A_1168 : vector<16xf32> to vector<1x16xf32>
        tpu.vector_store %arg11[%swap3A_1169, %swap3A_1170], %swap3A_1173 {strides = array<i32>} : memref<80x128xf32, #tpu.memory_space<vmem>>, vector<1x16xf32>,
        %slice3A_1174 = vector.extract_strided_slice %get3A_46 {offsets = [13], sizes = [1], strides = [1]} : vector<16xf32> to vector<1xf32>
        %squeeze3A_1175 = vector.extract %slice3A_1174[0] : f32 from vector<1xf32>
        %broadcast_in_dim3A_1176 = vector.broadcast %squeeze3A_1175 : f32 to vector<16xf32>
        %mul3A_1177 = arith.constant 16 : i32
        %mul3A_1178 = arith.muli %scan3A_39, %mul3A_1177 : i32
        %add3A_1179 = arith.constant 13 : i32
        %add3A_1180 = arith.addi %mul3A_1178, %add3A_1179 : i32
        %get3A_1181 = arith.index_cast %add3A_1180 : i32 to index
        %get3A_1182 = arith.constant 0 : index
        %get3A_1183 = tpu.vector_load %arg11[%get3A_1181, %get3A_1182] {strides = array<i32>} : memref<80x128xf32, #tpu.memory_space<vmem>>, vector<1x16xf32>,
        %get3A_1184 = vector.shape_cast %get3A_1183 : vector<1x16xf32> to vector<16xf32>
        %mul3A_1185 = arith.mulf %get3A_1184, %broadcast_in_dim3A_1176 : vector<16xf32>
        %swap3A_1186 = arith.index_cast %add3A_1180 : i32 to index
        %swap3A_1187 = arith.constant 0 : index
        %swap3A_1188 = tpu.vector_load %arg11[%swap3A_1186, %swap3A_1187] {strides = array<i32>} : memref<80x128xf32, #tpu.memory_space<vmem>>, vector<1x16xf32>,
        %swap3A_1189 = vector.shape_cast %swap3A_1188 : vector<1x16xf32> to vector<16xf32>
        %swap3A_1190 = vector.shape_cast %mul3A_1185 : vector<16xf32> to vector<1x16xf32>
        tpu.vector_store %arg11[%swap3A_1186, %swap3A_1187], %swap3A_1190 {strides = array<i32>} : memref<80x128xf32, #tpu.memory_space<vmem>>, vector<1x16xf32>,
        %get3A_1191 = arith.index_cast %add3A_1180 : i32 to index
        %get3A_1192 = arith.constant 16 : index
        %get3A_1193 = tpu.vector_load %arg11[%get3A_1191, %get3A_1192] {strides = array<i32>} : memref<80x128xf32, #tpu.memory_space<vmem>>, vector<1x16xf32>,
        %get3A_1194 = vector.shape_cast %get3A_1193 : vector<1x16xf32> to vector<16xf32>
        %mul3A_1195 = arith.mulf %get3A_1194, %broadcast_in_dim3A_1176 : vector<16xf32>
        %swap3A_1196 = arith.index_cast %add3A_1180 : i32 to index
        %swap3A_1197 = arith.constant 16 : index
        %swap3A_1198 = tpu.vector_load %arg11[%swap3A_1196, %swap3A_1197] {strides = array<i32>} : memref<80x128xf32, #tpu.memory_space<vmem>>, vector<1x16xf32>,
        %swap3A_1199 = vector.shape_cast %swap3A_1198 : vector<1x16xf32> to vector<16xf32>
        %swap3A_1200 = vector.shape_cast %mul3A_1195 : vector<16xf32> to vector<1x16xf32>
        tpu.vector_store %arg11[%swap3A_1196, %swap3A_1197], %swap3A_1200 {strides = array<i32>} : memref<80x128xf32, #tpu.memory_space<vmem>>, vector<1x16xf32>,
        %get3A_1201 = arith.index_cast %add3A_1180 : i32 to index
        %get3A_1202 = arith.constant 32 : index
        %get3A_1203 = tpu.vector_load %arg11[%get3A_1201, %get3A_1202] {strides = array<i32>} : memref<80x128xf32, #tpu.memory_space<vmem>>, vector<1x16xf32>,
        %get3A_1204 = vector.shape_cast %get3A_1203 : vector<1x16xf32> to vector<16xf32>
        %mul3A_1205 = arith.mulf %get3A_1204, %broadcast_in_dim3A_1176 : vector<16xf32>
        %swap3A_1206 = arith.index_cast %add3A_1180 : i32 to index
        %swap3A_1207 = arith.constant 32 : index
        %swap3A_1208 = tpu.vector_load %arg11[%swap3A_1206, %swap3A_1207] {strides = array<i32>} : memref<80x128xf32, #tpu.memory_space<vmem>>, vector<1x16xf32>,
        %swap3A_1209 = vector.shape_cast %swap3A_1208 : vector<1x16xf32> to vector<16xf32>
        %swap3A_1210 = vector.shape_cast %mul3A_1205 : vector<16xf32> to vector<1x16xf32>
        tpu.vector_store %arg11[%swap3A_1206, %swap3A_1207], %swap3A_1210 {strides = array<i32>} : memref<80x128xf32, #tpu.memory_space<vmem>>, vector<1x16xf32>,
        %get3A_1211 = arith.index_cast %add3A_1180 : i32 to index
        %get3A_1212 = arith.constant 48 : index
        %get3A_1213 = tpu.vector_load %arg11[%get3A_1211, %get3A_1212] {strides = array<i32>} : memref<80x128xf32, #tpu.memory_space<vmem>>, vector<1x16xf32>,
        %get3A_1214 = vector.shape_cast %get3A_1213 : vector<1x16xf32> to vector<16xf32>
        %mul3A_1215 = arith.mulf %get3A_1214, %broadcast_in_dim3A_1176 : vector<16xf32>
        %swap3A_1216 = arith.index_cast %add3A_1180 : i32 to index
        %swap3A_1217 = arith.constant 48 : index
        %swap3A_1218 = tpu.vector_load %arg11[%swap3A_1216, %swap3A_1217] {strides = array<i32>} : memref<80x128xf32, #tpu.memory_space<vmem>>, vector<1x16xf32>,
        %swap3A_1219 = vector.shape_cast %swap3A_1218 : vector<1x16xf32> to vector<16xf32>
        %swap3A_1220 = vector.shape_cast %mul3A_1215 : vector<16xf32> to vector<1x16xf32>
        tpu.vector_store %arg11[%swap3A_1216, %swap3A_1217], %swap3A_1220 {strides = array<i32>} : memref<80x128xf32, #tpu.memory_space<vmem>>, vector<1x16xf32>,
        %get3A_1221 = arith.index_cast %add3A_1180 : i32 to index
        %get3A_1222 = arith.constant 64 : index
        %get3A_1223 = tpu.vector_load %arg11[%get3A_1221, %get3A_1222] {strides = array<i32>} : memref<80x128xf32, #tpu.memory_space<vmem>>, vector<1x16xf32>,
        %get3A_1224 = vector.shape_cast %get3A_1223 : vector<1x16xf32> to vector<16xf32>
        %mul3A_1225 = arith.mulf %get3A_1224, %broadcast_in_dim3A_1176 : vector<16xf32>
        %swap3A_1226 = arith.index_cast %add3A_1180 : i32 to index
        %swap3A_1227 = arith.constant 64 : index
        %swap3A_1228 = tpu.vector_load %arg11[%swap3A_1226, %swap3A_1227] {strides = array<i32>} : memref<80x128xf32, #tpu.memory_space<vmem>>, vector<1x16xf32>,
        %swap3A_1229 = vector.shape_cast %swap3A_1228 : vector<1x16xf32> to vector<16xf32>
        %swap3A_1230 = vector.shape_cast %mul3A_1225 : vector<16xf32> to vector<1x16xf32>
        tpu.vector_store %arg11[%swap3A_1226, %swap3A_1227], %swap3A_1230 {strides = array<i32>} : memref<80x128xf32, #tpu.memory_space<vmem>>, vector<1x16xf32>,
        %get3A_1231 = arith.index_cast %add3A_1180 : i32 to index
        %get3A_1232 = arith.constant 80 : index
        %get3A_1233 = tpu.vector_load %arg11[%get3A_1231, %get3A_1232] {strides = array<i32>} : memref<80x128xf32, #tpu.memory_space<vmem>>, vector<1x16xf32>,
        %get3A_1234 = vector.shape_cast %get3A_1233 : vector<1x16xf32> to vector<16xf32>
        %mul3A_1235 = arith.mulf %get3A_1234, %broadcast_in_dim3A_1176 : vector<16xf32>
        %swap3A_1236 = arith.index_cast %add3A_1180 : i32 to index
        %swap3A_1237 = arith.constant 80 : index
        %swap3A_1238 = tpu.vector_load %arg11[%swap3A_1236, %swap3A_1237] {strides = array<i32>} : memref<80x128xf32, #tpu.memory_space<vmem>>, vector<1x16xf32>,
        %swap3A_1239 = vector.shape_cast %swap3A_1238 : vector<1x16xf32> to vector<16xf32>
        %swap3A_1240 = vector.shape_cast %mul3A_1235 : vector<16xf32> to vector<1x16xf32>
        tpu.vector_store %arg11[%swap3A_1236, %swap3A_1237], %swap3A_1240 {strides = array<i32>} : memref<80x128xf32, #tpu.memory_space<vmem>>, vector<1x16xf32>,
        %get3A_1241 = arith.index_cast %add3A_1180 : i32 to index
        %get3A_1242 = arith.constant 96 : index
        %get3A_1243 = tpu.vector_load %arg11[%get3A_1241, %get3A_1242] {strides = array<i32>} : memref<80x128xf32, #tpu.memory_space<vmem>>, vector<1x16xf32>,
        %get3A_1244 = vector.shape_cast %get3A_1243 : vector<1x16xf32> to vector<16xf32>
        %mul3A_1245 = arith.mulf %get3A_1244, %broadcast_in_dim3A_1176 : vector<16xf32>
        %swap3A_1246 = arith.index_cast %add3A_1180 : i32 to index
        %swap3A_1247 = arith.constant 96 : index
        %swap3A_1248 = tpu.vector_load %arg11[%swap3A_1246, %swap3A_1247] {strides = array<i32>} : memref<80x128xf32, #tpu.memory_space<vmem>>, vector<1x16xf32>,
        %swap3A_1249 = vector.shape_cast %swap3A_1248 : vector<1x16xf32> to vector<16xf32>
        %swap3A_1250 = vector.shape_cast %mul3A_1245 : vector<16xf32> to vector<1x16xf32>
        tpu.vector_store %arg11[%swap3A_1246, %swap3A_1247], %swap3A_1250 {strides = array<i32>} : memref<80x128xf32, #tpu.memory_space<vmem>>, vector<1x16xf32>,
        %get3A_1251 = arith.index_cast %add3A_1180 : i32 to index
        %get3A_1252 = arith.constant 112 : index
        %get3A_1253 = tpu.vector_load %arg11[%get3A_1251, %get3A_1252] {strides = array<i32>} : memref<80x128xf32, #tpu.memory_space<vmem>>, vector<1x16xf32>,
        %get3A_1254 = vector.shape_cast %get3A_1253 : vector<1x16xf32> to vector<16xf32>
        %mul3A_1255 = arith.mulf %get3A_1254, %broadcast_in_dim3A_1176 : vector<16xf32>
        %swap3A_1256 = arith.index_cast %add3A_1180 : i32 to index
        %swap3A_1257 = arith.constant 112 : index
        %swap3A_1258 = tpu.vector_load %arg11[%swap3A_1256, %swap3A_1257] {strides = array<i32>} : memref<80x128xf32, #tpu.memory_space<vmem>>, vector<1x16xf32>,
        %swap3A_1259 = vector.shape_cast %swap3A_1258 : vector<1x16xf32> to vector<16xf32>
        %swap3A_1260 = vector.shape_cast %mul3A_1255 : vector<16xf32> to vector<1x16xf32>
        tpu.vector_store %arg11[%swap3A_1256, %swap3A_1257], %swap3A_1260 {strides = array<i32>} : memref<80x128xf32, #tpu.memory_space<vmem>>, vector<1x16xf32>,
        %slice3A_1261 = vector.extract_strided_slice %get3A_46 {offsets = [14], sizes = [1], strides = [1]} : vector<16xf32> to vector<1xf32>
        %squeeze3A_1262 = vector.extract %slice3A_1261[0] : f32 from vector<1xf32>
        %broadcast_in_dim3A_1263 = vector.broadcast %squeeze3A_1262 : f32 to vector<16xf32>
        %mul3A_1264 = arith.constant 16 : i32
        %mul3A_1265 = arith.muli %scan3A_39, %mul3A_1264 : i32
        %add3A_1266 = arith.constant 14 : i32
        %add3A_1267 = arith.addi %mul3A_1265, %add3A_1266 : i32
        %get3A_1268 = arith.index_cast %add3A_1267 : i32 to index
        %get3A_1269 = arith.constant 0 : index
        %get3A_1270 = tpu.vector_load %arg11[%get3A_1268, %get3A_1269] {strides = array<i32>} : memref<80x128xf32, #tpu.memory_space<vmem>>, vector<1x16xf32>,
        %get3A_1271 = vector.shape_cast %get3A_1270 : vector<1x16xf32> to vector<16xf32>
        %mul3A_1272 = arith.mulf %get3A_1271, %broadcast_in_dim3A_1263 : vector<16xf32>
        %swap3A_1273 = arith.index_cast %add3A_1267 : i32 to index
        %swap3A_1274 = arith.constant 0 : index
        %swap3A_1275 = tpu.vector_load %arg11[%swap3A_1273, %swap3A_1274] {strides = array<i32>} : memref<80x128xf32, #tpu.memory_space<vmem>>, vector<1x16xf32>,
        %swap3A_1276 = vector.shape_cast %swap3A_1275 : vector<1x16xf32> to vector<16xf32>
        %swap3A_1277 = vector.shape_cast %mul3A_1272 : vector<16xf32> to vector<1x16xf32>
        tpu.vector_store %arg11[%swap3A_1273, %swap3A_1274], %swap3A_1277 {strides = array<i32>} : memref<80x128xf32, #tpu.memory_space<vmem>>, vector<1x16xf32>,
        %get3A_1278 = arith.index_cast %add3A_1267 : i32 to index
        %get3A_1279 = arith.constant 16 : index
        %get3A_1280 = tpu.vector_load %arg11[%get3A_1278, %get3A_1279] {strides = array<i32>} : memref<80x128xf32, #tpu.memory_space<vmem>>, vector<1x16xf32>,
        %get3A_1281 = vector.shape_cast %get3A_1280 : vector<1x16xf32> to vector<16xf32>
        %mul3A_1282 = arith.mulf %get3A_1281, %broadcast_in_dim3A_1263 : vector<16xf32>
        %swap3A_1283 = arith.index_cast %add3A_1267 : i32 to index
        %swap3A_1284 = arith.constant 16 : index
        %swap3A_1285 = tpu.vector_load %arg11[%swap3A_1283, %swap3A_1284] {strides = array<i32>} : memref<80x128xf32, #tpu.memory_space<vmem>>, vector<1x16xf32>,
        %swap3A_1286 = vector.shape_cast %swap3A_1285 : vector<1x16xf32> to vector<16xf32>
        %swap3A_1287 = vector.shape_cast %mul3A_1282 : vector<16xf32> to vector<1x16xf32>
        tpu.vector_store %arg11[%swap3A_1283, %swap3A_1284], %swap3A_1287 {strides = array<i32>} : memref<80x128xf32, #tpu.memory_space<vmem>>, vector<1x16xf32>,
        %get3A_1288 = arith.index_cast %add3A_1267 : i32 to index
        %get3A_1289 = arith.constant 32 : index
        %get3A_1290 = tpu.vector_load %arg11[%get3A_1288, %get3A_1289] {strides = array<i32>} : memref<80x128xf32, #tpu.memory_space<vmem>>, vector<1x16xf32>,
        %get3A_1291 = vector.shape_cast %get3A_1290 : vector<1x16xf32> to vector<16xf32>
        %mul3A_1292 = arith.mulf %get3A_1291, %broadcast_in_dim3A_1263 : vector<16xf32>
        %swap3A_1293 = arith.index_cast %add3A_1267 : i32 to index
        %swap3A_1294 = arith.constant 32 : index
        %swap3A_1295 = tpu.vector_load %arg11[%swap3A_1293, %swap3A_1294] {strides = array<i32>} : memref<80x128xf32, #tpu.memory_space<vmem>>, vector<1x16xf32>,
        %swap3A_1296 = vector.shape_cast %swap3A_1295 : vector<1x16xf32> to vector<16xf32>
        %swap3A_1297 = vector.shape_cast %mul3A_1292 : vector<16xf32> to vector<1x16xf32>
        tpu.vector_store %arg11[%swap3A_1293, %swap3A_1294], %swap3A_1297 {strides = array<i32>} : memref<80x128xf32, #tpu.memory_space<vmem>>, vector<1x16xf32>,
        %get3A_1298 = arith.index_cast %add3A_1267 : i32 to index
        %get3A_1299 = arith.constant 48 : index
        %get3A_1300 = tpu.vector_load %arg11[%get3A_1298, %get3A_1299] {strides = array<i32>} : memref<80x128xf32, #tpu.memory_space<vmem>>, vector<1x16xf32>,
        %get3A_1301 = vector.shape_cast %get3A_1300 : vector<1x16xf32> to vector<16xf32>
        %mul3A_1302 = arith.mulf %get3A_1301, %broadcast_in_dim3A_1263 : vector<16xf32>
        %swap3A_1303 = arith.index_cast %add3A_1267 : i32 to index
        %swap3A_1304 = arith.constant 48 : index
        %swap3A_1305 = tpu.vector_load %arg11[%swap3A_1303, %swap3A_1304] {strides = array<i32>} : memref<80x128xf32, #tpu.memory_space<vmem>>, vector<1x16xf32>,
        %swap3A_1306 = vector.shape_cast %swap3A_1305 : vector<1x16xf32> to vector<16xf32>
        %swap3A_1307 = vector.shape_cast %mul3A_1302 : vector<16xf32> to vector<1x16xf32>
        tpu.vector_store %arg11[%swap3A_1303, %swap3A_1304], %swap3A_1307 {strides = array<i32>} : memref<80x128xf32, #tpu.memory_space<vmem>>, vector<1x16xf32>,
        %get3A_1308 = arith.index_cast %add3A_1267 : i32 to index
        %get3A_1309 = arith.constant 64 : index
        %get3A_1310 = tpu.vector_load %arg11[%get3A_1308, %get3A_1309] {strides = array<i32>} : memref<80x128xf32, #tpu.memory_space<vmem>>, vector<1x16xf32>,
        %get3A_1311 = vector.shape_cast %get3A_1310 : vector<1x16xf32> to vector<16xf32>
        %mul3A_1312 = arith.mulf %get3A_1311, %broadcast_in_dim3A_1263 : vector<16xf32>
        %swap3A_1313 = arith.index_cast %add3A_1267 : i32 to index
        %swap3A_1314 = arith.constant 64 : index
        %swap3A_1315 = tpu.vector_load %arg11[%swap3A_1313, %swap3A_1314] {strides = array<i32>} : memref<80x128xf32, #tpu.memory_space<vmem>>, vector<1x16xf32>,
        %swap3A_1316 = vector.shape_cast %swap3A_1315 : vector<1x16xf32> to vector<16xf32>
        %swap3A_1317 = vector.shape_cast %mul3A_1312 : vector<16xf32> to vector<1x16xf32>
        tpu.vector_store %arg11[%swap3A_1313, %swap3A_1314], %swap3A_1317 {strides = array<i32>} : memref<80x128xf32, #tpu.memory_space<vmem>>, vector<1x16xf32>,
        %get3A_1318 = arith.index_cast %add3A_1267 : i32 to index
        %get3A_1319 = arith.constant 80 : index
        %get3A_1320 = tpu.vector_load %arg11[%get3A_1318, %get3A_1319] {strides = array<i32>} : memref<80x128xf32, #tpu.memory_space<vmem>>, vector<1x16xf32>,
        %get3A_1321 = vector.shape_cast %get3A_1320 : vector<1x16xf32> to vector<16xf32>
        %mul3A_1322 = arith.mulf %get3A_1321, %broadcast_in_dim3A_1263 : vector<16xf32>
        %swap3A_1323 = arith.index_cast %add3A_1267 : i32 to index
        %swap3A_1324 = arith.constant 80 : index
        %swap3A_1325 = tpu.vector_load %arg11[%swap3A_1323, %swap3A_1324] {strides = array<i32>} : memref<80x128xf32, #tpu.memory_space<vmem>>, vector<1x16xf32>,
        %swap3A_1326 = vector.shape_cast %swap3A_1325 : vector<1x16xf32> to vector<16xf32>
        %swap3A_1327 = vector.shape_cast %mul3A_1322 : vector<16xf32> to vector<1x16xf32>
        tpu.vector_store %arg11[%swap3A_1323, %swap3A_1324], %swap3A_1327 {strides = array<i32>} : memref<80x128xf32, #tpu.memory_space<vmem>>, vector<1x16xf32>,
        %get3A_1328 = arith.index_cast %add3A_1267 : i32 to index
        %get3A_1329 = arith.constant 96 : index
        %get3A_1330 = tpu.vector_load %arg11[%get3A_1328, %get3A_1329] {strides = array<i32>} : memref<80x128xf32, #tpu.memory_space<vmem>>, vector<1x16xf32>,
        %get3A_1331 = vector.shape_cast %get3A_1330 : vector<1x16xf32> to vector<16xf32>
        %mul3A_1332 = arith.mulf %get3A_1331, %broadcast_in_dim3A_1263 : vector<16xf32>
        %swap3A_1333 = arith.index_cast %add3A_1267 : i32 to index
        %swap3A_1334 = arith.constant 96 : index
        %swap3A_1335 = tpu.vector_load %arg11[%swap3A_1333, %swap3A_1334] {strides = array<i32>} : memref<80x128xf32, #tpu.memory_space<vmem>>, vector<1x16xf32>,
        %swap3A_1336 = vector.shape_cast %swap3A_1335 : vector<1x16xf32> to vector<16xf32>
        %swap3A_1337 = vector.shape_cast %mul3A_1332 : vector<16xf32> to vector<1x16xf32>
        tpu.vector_store %arg11[%swap3A_1333, %swap3A_1334], %swap3A_1337 {strides = array<i32>} : memref<80x128xf32, #tpu.memory_space<vmem>>, vector<1x16xf32>,
        %get3A_1338 = arith.index_cast %add3A_1267 : i32 to index
        %get3A_1339 = arith.constant 112 : index
        %get3A_1340 = tpu.vector_load %arg11[%get3A_1338, %get3A_1339] {strides = array<i32>} : memref<80x128xf32, #tpu.memory_space<vmem>>, vector<1x16xf32>,
        %get3A_1341 = vector.shape_cast %get3A_1340 : vector<1x16xf32> to vector<16xf32>
        %mul3A_1342 = arith.mulf %get3A_1341, %broadcast_in_dim3A_1263 : vector<16xf32>
        %swap3A_1343 = arith.index_cast %add3A_1267 : i32 to index
        %swap3A_1344 = arith.constant 112 : index
        %swap3A_1345 = tpu.vector_load %arg11[%swap3A_1343, %swap3A_1344] {strides = array<i32>} : memref<80x128xf32, #tpu.memory_space<vmem>>, vector<1x16xf32>,
        %swap3A_1346 = vector.shape_cast %swap3A_1345 : vector<1x16xf32> to vector<16xf32>
        %swap3A_1347 = vector.shape_cast %mul3A_1342 : vector<16xf32> to vector<1x16xf32>
        tpu.vector_store %arg11[%swap3A_1343, %swap3A_1344], %swap3A_1347 {strides = array<i32>} : memref<80x128xf32, #tpu.memory_space<vmem>>, vector<1x16xf32>,
        %slice3A_1348 = vector.extract_strided_slice %get3A_46 {offsets = [15], sizes = [1], strides = [1]} : vector<16xf32> to vector<1xf32>
        %squeeze3A_1349 = vector.extract %slice3A_1348[0] : f32 from vector<1xf32>
        %broadcast_in_dim3A_1350 = vector.broadcast %squeeze3A_1349 : f32 to vector<16xf32>
        %mul3A_1351 = arith.constant 16 : i32
        %mul3A_1352 = arith.muli %scan3A_39, %mul3A_1351 : i32
        %add3A_1353 = arith.constant 15 : i32
        %add3A_1354 = arith.addi %mul3A_1352, %add3A_1353 : i32
        %get3A_1355 = arith.index_cast %add3A_1354 : i32 to index
        %get3A_1356 = arith.constant 0 : index
        %get3A_1357 = tpu.vector_load %arg11[%get3A_1355, %get3A_1356] {strides = array<i32>} : memref<80x128xf32, #tpu.memory_space<vmem>>, vector<1x16xf32>,
        %get3A_1358 = vector.shape_cast %get3A_1357 : vector<1x16xf32> to vector<16xf32>
        %mul3A_1359 = arith.mulf %get3A_1358, %broadcast_in_dim3A_1350 : vector<16xf32>
        %swap3A_1360 = arith.index_cast %add3A_1354 : i32 to index
        %swap3A_1361 = arith.constant 0 : index
        %swap3A_1362 = tpu.vector_load %arg11[%swap3A_1360, %swap3A_1361] {strides = array<i32>} : memref<80x128xf32, #tpu.memory_space<vmem>>, vector<1x16xf32>,
        %swap3A_1363 = vector.shape_cast %swap3A_1362 : vector<1x16xf32> to vector<16xf32>
        %swap3A_1364 = vector.shape_cast %mul3A_1359 : vector<16xf32> to vector<1x16xf32>
        tpu.vector_store %arg11[%swap3A_1360, %swap3A_1361], %swap3A_1364 {strides = array<i32>} : memref<80x128xf32, #tpu.memory_space<vmem>>, vector<1x16xf32>,
        %get3A_1365 = arith.index_cast %add3A_1354 : i32 to index
        %get3A_1366 = arith.constant 16 : index
        %get3A_1367 = tpu.vector_load %arg11[%get3A_1365, %get3A_1366] {strides = array<i32>} : memref<80x128xf32, #tpu.memory_space<vmem>>, vector<1x16xf32>,
        %get3A_1368 = vector.shape_cast %get3A_1367 : vector<1x16xf32> to vector<16xf32>
        %mul3A_1369 = arith.mulf %get3A_1368, %broadcast_in_dim3A_1350 : vector<16xf32>
        %swap3A_1370 = arith.index_cast %add3A_1354 : i32 to index
        %swap3A_1371 = arith.constant 16 : index
        %swap3A_1372 = tpu.vector_load %arg11[%swap3A_1370, %swap3A_1371] {strides = array<i32>} : memref<80x128xf32, #tpu.memory_space<vmem>>, vector<1x16xf32>,
        %swap3A_1373 = vector.shape_cast %swap3A_1372 : vector<1x16xf32> to vector<16xf32>
        %swap3A_1374 = vector.shape_cast %mul3A_1369 : vector<16xf32> to vector<1x16xf32>
        tpu.vector_store %arg11[%swap3A_1370, %swap3A_1371], %swap3A_1374 {strides = array<i32>} : memref<80x128xf32, #tpu.memory_space<vmem>>, vector<1x16xf32>,
        %get3A_1375 = arith.index_cast %add3A_1354 : i32 to index
        %get3A_1376 = arith.constant 32 : index
        %get3A_1377 = tpu.vector_load %arg11[%get3A_1375, %get3A_1376] {strides = array<i32>} : memref<80x128xf32, #tpu.memory_space<vmem>>, vector<1x16xf32>,
        %get3A_1378 = vector.shape_cast %get3A_1377 : vector<1x16xf32> to vector<16xf32>
        %mul3A_1379 = arith.mulf %get3A_1378, %broadcast_in_dim3A_1350 : vector<16xf32>
        %swap3A_1380 = arith.index_cast %add3A_1354 : i32 to index
        %swap3A_1381 = arith.constant 32 : index
        %swap3A_1382 = tpu.vector_load %arg11[%swap3A_1380, %swap3A_1381] {strides = array<i32>} : memref<80x128xf32, #tpu.memory_space<vmem>>, vector<1x16xf32>,
        %swap3A_1383 = vector.shape_cast %swap3A_1382 : vector<1x16xf32> to vector<16xf32>
        %swap3A_1384 = vector.shape_cast %mul3A_1379 : vector<16xf32> to vector<1x16xf32>
        tpu.vector_store %arg11[%swap3A_1380, %swap3A_1381], %swap3A_1384 {strides = array<i32>} : memref<80x128xf32, #tpu.memory_space<vmem>>, vector<1x16xf32>,
        %get3A_1385 = arith.index_cast %add3A_1354 : i32 to index
        %get3A_1386 = arith.constant 48 : index
        %get3A_1387 = tpu.vector_load %arg11[%get3A_1385, %get3A_1386] {strides = array<i32>} : memref<80x128xf32, #tpu.memory_space<vmem>>, vector<1x16xf32>,
        %get3A_1388 = vector.shape_cast %get3A_1387 : vector<1x16xf32> to vector<16xf32>
        %mul3A_1389 = arith.mulf %get3A_1388, %broadcast_in_dim3A_1350 : vector<16xf32>
        %swap3A_1390 = arith.index_cast %add3A_1354 : i32 to index
        %swap3A_1391 = arith.constant 48 : index
        %swap3A_1392 = tpu.vector_load %arg11[%swap3A_1390, %swap3A_1391] {strides = array<i32>} : memref<80x128xf32, #tpu.memory_space<vmem>>, vector<1x16xf32>,
        %swap3A_1393 = vector.shape_cast %swap3A_1392 : vector<1x16xf32> to vector<16xf32>
        %swap3A_1394 = vector.shape_cast %mul3A_1389 : vector<16xf32> to vector<1x16xf32>
        tpu.vector_store %arg11[%swap3A_1390, %swap3A_1391], %swap3A_1394 {strides = array<i32>} : memref<80x128xf32, #tpu.memory_space<vmem>>, vector<1x16xf32>,
        %get3A_1395 = arith.index_cast %add3A_1354 : i32 to index
        %get3A_1396 = arith.constant 64 : index
        %get3A_1397 = tpu.vector_load %arg11[%get3A_1395, %get3A_1396] {strides = array<i32>} : memref<80x128xf32, #tpu.memory_space<vmem>>, vector<1x16xf32>,
        %get3A_1398 = vector.shape_cast %get3A_1397 : vector<1x16xf32> to vector<16xf32>
        %mul3A_1399 = arith.mulf %get3A_1398, %broadcast_in_dim3A_1350 : vector<16xf32>
        %swap3A_1400 = arith.index_cast %add3A_1354 : i32 to index
        %swap3A_1401 = arith.constant 64 : index
        %swap3A_1402 = tpu.vector_load %arg11[%swap3A_1400, %swap3A_1401] {strides = array<i32>} : memref<80x128xf32, #tpu.memory_space<vmem>>, vector<1x16xf32>,
        %swap3A_1403 = vector.shape_cast %swap3A_1402 : vector<1x16xf32> to vector<16xf32>
        %swap3A_1404 = vector.shape_cast %mul3A_1399 : vector<16xf32> to vector<1x16xf32>
        tpu.vector_store %arg11[%swap3A_1400, %swap3A_1401], %swap3A_1404 {strides = array<i32>} : memref<80x128xf32, #tpu.memory_space<vmem>>, vector<1x16xf32>,
        %get3A_1405 = arith.index_cast %add3A_1354 : i32 to index
        %get3A_1406 = arith.constant 80 : index
        %get3A_1407 = tpu.vector_load %arg11[%get3A_1405, %get3A_1406] {strides = array<i32>} : memref<80x128xf32, #tpu.memory_space<vmem>>, vector<1x16xf32>,
        %get3A_1408 = vector.shape_cast %get3A_1407 : vector<1x16xf32> to vector<16xf32>
        %mul3A_1409 = arith.mulf %get3A_1408, %broadcast_in_dim3A_1350 : vector<16xf32>
        %swap3A_1410 = arith.index_cast %add3A_1354 : i32 to index
        %swap3A_1411 = arith.constant 80 : index
        %swap3A_1412 = tpu.vector_load %arg11[%swap3A_1410, %swap3A_1411] {strides = array<i32>} : memref<80x128xf32, #tpu.memory_space<vmem>>, vector<1x16xf32>,
        %swap3A_1413 = vector.shape_cast %swap3A_1412 : vector<1x16xf32> to vector<16xf32>
        %swap3A_1414 = vector.shape_cast %mul3A_1409 : vector<16xf32> to vector<1x16xf32>
        tpu.vector_store %arg11[%swap3A_1410, %swap3A_1411], %swap3A_1414 {strides = array<i32>} : memref<80x128xf32, #tpu.memory_space<vmem>>, vector<1x16xf32>,
        %get3A_1415 = arith.index_cast %add3A_1354 : i32 to index
        %get3A_1416 = arith.constant 96 : index
        %get3A_1417 = tpu.vector_load %arg11[%get3A_1415, %get3A_1416] {strides = array<i32>} : memref<80x128xf32, #tpu.memory_space<vmem>>, vector<1x16xf32>,
        %get3A_1418 = vector.shape_cast %get3A_1417 : vector<1x16xf32> to vector<16xf32>
        %mul3A_1419 = arith.mulf %get3A_1418, %broadcast_in_dim3A_1350 : vector<16xf32>
        %swap3A_1420 = arith.index_cast %add3A_1354 : i32 to index
        %swap3A_1421 = arith.constant 96 : index
        %swap3A_1422 = tpu.vector_load %arg11[%swap3A_1420, %swap3A_1421] {strides = array<i32>} : memref<80x128xf32, #tpu.memory_space<vmem>>, vector<1x16xf32>,
        %swap3A_1423 = vector.shape_cast %swap3A_1422 : vector<1x16xf32> to vector<16xf32>
        %swap3A_1424 = vector.shape_cast %mul3A_1419 : vector<16xf32> to vector<1x16xf32>
        tpu.vector_store %arg11[%swap3A_1420, %swap3A_1421], %swap3A_1424 {strides = array<i32>} : memref<80x128xf32, #tpu.memory_space<vmem>>, vector<1x16xf32>,
        %get3A_1425 = arith.index_cast %add3A_1354 : i32 to index
        %get3A_1426 = arith.constant 112 : index
        %get3A_1427 = tpu.vector_load %arg11[%get3A_1425, %get3A_1426] {strides = array<i32>} : memref<80x128xf32, #tpu.memory_space<vmem>>, vector<1x16xf32>,
        %get3A_1428 = vector.shape_cast %get3A_1427 : vector<1x16xf32> to vector<16xf32>
        %mul3A_1429 = arith.mulf %get3A_1428, %broadcast_in_dim3A_1350 : vector<16xf32>
        %swap3A_1430 = arith.index_cast %add3A_1354 : i32 to index
        %swap3A_1431 = arith.constant 112 : index
        %swap3A_1432 = tpu.vector_load %arg11[%swap3A_1430, %swap3A_1431] {strides = array<i32>} : memref<80x128xf32, #tpu.memory_space<vmem>>, vector<1x16xf32>,
        %swap3A_1433 = vector.shape_cast %swap3A_1432 : vector<1x16xf32> to vector<16xf32>
        %swap3A_1434 = vector.shape_cast %mul3A_1429 : vector<16xf32> to vector<1x16xf32>
        tpu.vector_store %arg11[%swap3A_1430, %swap3A_1431], %swap3A_1434 {strides = array<i32>} : memref<80x128xf32, #tpu.memory_space<vmem>>, vector<1x16xf32>,
      }
      %scan3A_38 = arith.constant 5 : i32
      "tpu.region"() ({
        %run_scoped3A = tpu.sem_alloc : memref<!tpu.dma_semaphore, #tpu.memory_space<semaphore_mem>>
        %dma_start3A_39 = arith.constant 0 : i32
        %dma_start3A_40 = tpu.memref_slice %arg9[%scan3A_24, %dma_start3A_39] : memref<125x80xi32, #tpu.memory_space<vmem>> -> memref<1x80xi32, #tpu.memory_space<vmem>>
        %dma_start3A_41 = tpu.memref_squeeze %dma_start3A_40 : memref<1x80xi32, #tpu.memory_space<vmem>> -> memref<80xi32, #tpu.memory_space<vmem>>
        %dma_start3A_42 = arith.constant 0 : i32
        %dma_start3A_43 = arith.constant 0 : i32
        %dma_start3A_44 = tpu.memref_slice %arg12[%dma_start3A_42, %dma_start3A_43] : memref<10000x128xf32, #tpu.memory_space<vmem_shared>> -> memref<10000x128xf32, #tpu.memory_space<vmem_shared>>
        tpu.enqueue_indirect_dma source(%arg11 : memref<80x128xf32, #tpu.memory_space<vmem>>) target(%dma_start3A_44 : memref<10000x128xf32, #tpu.memory_space<vmem_shared>>) offsets(%dma_start3A_41 : memref<80xi32, #tpu.memory_space<vmem>>) semaphore(%run_scoped3A : memref<!tpu.dma_semaphore, #tpu.memory_space<semaphore_mem>>) {add = true}
        %dma_wait3A_45 = arith.constant 0 : i32
        %dma_wait3A_46 = tpu.memref_slice %arg9[%scan3A_24, %dma_wait3A_45] : memref<125x80xi32, #tpu.memory_space<vmem>> -> memref<1x80xi32, #tpu.memory_space<vmem>>
        %dma_wait3A_47 = tpu.memref_squeeze %dma_wait3A_46 : memref<1x80xi32, #tpu.memory_space<vmem>> -> memref<80xi32, #tpu.memory_space<vmem>>
        %dma_wait3A_48 = arith.constant 0 : i32
        %dma_wait3A_49 = arith.constant 0 : i32
        %dma_wait3A_50 = tpu.memref_slice %arg12[%dma_wait3A_48, %dma_wait3A_49] : memref<10000x128xf32, #tpu.memory_space<vmem_shared>> -> memref<10000x128xf32, #tpu.memory_space<vmem_shared>>
        tpu.wait_indirect_dma semaphore(%run_scoped3A : memref<!tpu.dma_semaphore, #tpu.memory_space<semaphore_mem>>) src(%arg11 : memref<80x128xf32, #tpu.memory_space<vmem>>) dst(%dma_wait3A_50 : memref<10000x128xf32, #tpu.memory_space<vmem_shared>>)
        tpu.yield
      }) : () -> ()
    }
    %scan3A_13 = arith.constant 125 : i32
    %barrier3A_14 = arith.constant 0 : index
    tpu.barrier barrier_id(%barrier3A_14)
    %mul3A_15 = arith.constant 624 : i32
    %mul3A_16 = arith.muli %arg1, %mul3A_15 : i32
    %mul3A_17 = arith.constant 624 : i32
    %mul3A_18 = arith.muli %arg1, %mul3A_17 : i32
    "tpu.region"() ({
      %run_scoped3A = tpu.sem_alloc : memref<!tpu.dma_semaphore, #tpu.memory_space<semaphore_mem>>
      %dma_start3A = arith.constant 0 : i32
      %dma_start3A_24 = tpu.memref_slice %arg7[%arg0, %mul3A_18, %dma_start3A] : memref<2x10000x128xf32, #tpu.memory_space<hbm>> -> memref<1x624x128xf32, #tpu.memory_space<hbm>>
      %dma_start3A_25 = tpu.memref_squeeze %dma_start3A_24 : memref<1x624x128xf32, #tpu.memory_space<hbm>> -> memref<624x128xf32, #tpu.memory_space<hbm>>
      %dma_start3A_26 = arith.constant 0 : i32
      %dma_start3A_27 = tpu.memref_slice %arg12[%mul3A_16, %dma_start3A_26] : memref<10000x128xf32, #tpu.memory_space<vmem_shared>> -> memref<624x128xf32, #tpu.memory_space<vmem_shared>>
      tpu.enqueue_dma source(%dma_start3A_27 : memref<624x128xf32, #tpu.memory_space<vmem_shared>>) target(%dma_start3A_25 : memref<624x128xf32, #tpu.memory_space<hbm>>) target_semaphore(%run_scoped3A : memref<!tpu.dma_semaphore, #tpu.memory_space<semaphore_mem>>)
      %dma_wait3A = arith.constant 0 : i32
      %dma_wait3A_28 = tpu.memref_slice %arg7[%arg0, %mul3A_18, %dma_wait3A] : memref<2x10000x128xf32, #tpu.memory_space<hbm>> -> memref<1x624x128xf32, #tpu.memory_space<hbm>>
      %dma_wait3A_29 = tpu.memref_squeeze %dma_wait3A_28 : memref<1x624x128xf32, #tpu.memory_space<hbm>> -> memref<624x128xf32, #tpu.memory_space<hbm>>
      %dma_wait3A_30 = arith.constant 0 : i32
      %dma_wait3A_31 = tpu.memref_slice %arg12[%mul3A_16, %dma_wait3A_30] : memref<10000x128xf32, #tpu.memory_space<vmem_shared>> -> memref<624x128xf32, #tpu.memory_space<vmem_shared>>
      tpu.wait_dma2 semaphore(%run_scoped3A : memref<!tpu.dma_semaphore, #tpu.memory_space<semaphore_mem>>) src(%dma_wait3A_31 : memref<624x128xf32, #tpu.memory_space<vmem_shared>>) dst(%dma_wait3A_29 : memref<624x128xf32, #tpu.memory_space<hbm>>)
      tpu.yield
    }) : () -> ()
    %eq3A_19 = arith.constant 15 : i32
    %eq3A_20 = arith.cmpi eq, %arg1, %eq3A_19 : i32
    %convert_element_type3A_21 = arith.extui %eq3A_20 : i1 to i32
    %cond3A_22 = arith.constant 0 : i32
    %cond3A_23 = arith.cmpi ne, %convert_element_type3A_21, %cond3A_22 : i32
    scf.if %cond3A_23 {
      "tpu.region"() ({
        %run_scoped3A = tpu.sem_alloc : memref<!tpu.dma_semaphore, #tpu.memory_space<semaphore_mem>>
        %dma_start3A = arith.constant 9984 : i32
        %dma_start3A_24 = arith.constant 0 : i32
        %dma_start3A_25 = tpu.memref_slice %arg7[%arg0, %dma_start3A, %dma_start3A_24] : memref<2x10000x128xf32, #tpu.memory_space<hbm>> -> memref<1x16x128xf32, #tpu.memory_space<hbm>>
        %dma_start3A_26 = tpu.memref_squeeze %dma_start3A_25 : memref<1x16x128xf32, #tpu.memory_space<hbm>> -> memref<16x128xf32, #tpu.memory_space<hbm>>
        %dma_start3A_27 = arith.constant 9984 : i32
        %dma_start3A_28 = arith.constant 0 : i32
        %dma_start3A_29 = tpu.memref_slice %arg12[%dma_start3A_27, %dma_start3A_28] : memref<10000x128xf32, #tpu.memory_space<vmem_shared>> -> memref<16x128xf32, #tpu.memory_space<vmem_shared>>
        tpu.enqueue_dma source(%dma_start3A_29 : memref<16x128xf32, #tpu.memory_space<vmem_shared>>) target(%dma_start3A_26 : memref<16x128xf32, #tpu.memory_space<hbm>>) target_semaphore(%run_scoped3A : memref<!tpu.dma_semaphore, #tpu.memory_space<semaphore_mem>>)
        %dma_wait3A = arith.constant 9984 : i32
        %dma_wait3A_30 = arith.constant 0 : i32
        %dma_wait3A_31 = tpu.memref_slice %arg7[%arg0, %dma_wait3A, %dma_wait3A_30] : memref<2x10000x128xf32, #tpu.memory_space<hbm>> -> memref<1x16x128xf32, #tpu.memory_space<hbm>>
        %dma_wait3A_32 = tpu.memref_squeeze %dma_wait3A_31 : memref<1x16x128xf32, #tpu.memory_space<hbm>> -> memref<16x128xf32, #tpu.memory_space<hbm>>
        %dma_wait3A_33 = arith.constant 9984 : i32
        %dma_wait3A_34 = arith.constant 0 : i32
        %dma_wait3A_35 = tpu.memref_slice %arg12[%dma_wait3A_33, %dma_wait3A_34] : memref<10000x128xf32, #tpu.memory_space<vmem_shared>> -> memref<16x128xf32, #tpu.memory_space<vmem_shared>>
        tpu.wait_dma2 semaphore(%run_scoped3A : memref<!tpu.dma_semaphore, #tpu.memory_space<semaphore_mem>>) src(%dma_wait3A_35 : memref<16x128xf32, #tpu.memory_space<vmem_shared>>) dst(%dma_wait3A_32 : memref<16x128xf32, #tpu.memory_space<hbm>>)
        tpu.yield
      }) : () -> ()
    } else {
    }
    return
  }
}

module attributes {stable_mosaic.version = 14 : i64} {
  func.func @_mlp_body(%arg0: memref<2x10000x128xf32, #tpu.memory_space<vmem>>, %arg1: memref<128x128xf32, #tpu.memory_space<vmem>>, %arg2: memref<1x128xf32, #tpu.memory_space<vmem>>, %arg3: memref<128x128xf32, #tpu.memory_space<vmem>>, %arg4: memref<1x128xf32, #tpu.memory_space<vmem>>, %arg5: memref<1x128xf32, #tpu.memory_space<vmem>>, %arg6: memref<1x128xf32, #tpu.memory_space<vmem>>, %arg7: memref<1x128xf32, #tpu.memory_space<vmem>>, %arg8: memref<1x128xf32, #tpu.memory_space<vmem>>, %arg9: memref<10000x128xf32, #tpu.memory_space<vmem>>) attributes {dimension_semantics = [], scalar_prefetch = 0 : i64, scratch_operands = 0 : i64, tpu.core_type = #tpu.core_type<tc>} {
    %get3A = arith.constant 0 : index
    %get3A_0 = arith.constant 0 : index
    %get3A_1 = arith.constant 0 : index
    %get3A_2 = vector.load %arg0[%get3A, %get3A_0, %get3A_1] : memref<2x10000x128xf32, #tpu.memory_space<vmem>>, vector<1x10000x128xf32>
    %get3A_3 = vector.shape_cast %get3A_2 : vector<1x10000x128xf32> to vector<10000x128xf32>
    %get3A_4 = arith.constant 1 : index
    %get3A_5 = arith.constant 0 : index
    %get3A_6 = arith.constant 0 : index
    %get3A_7 = vector.load %arg0[%get3A_4, %get3A_5, %get3A_6] : memref<2x10000x128xf32, #tpu.memory_space<vmem>>, vector<1x10000x128xf32>
    %get3A_8 = vector.shape_cast %get3A_7 : vector<1x10000x128xf32> to vector<10000x128xf32>
    %add3A = arith.addf %get3A_3, %get3A_8 : vector<10000x128xf32>
    %get3A_9 = arith.constant 0 : index
    %get3A_10 = arith.constant 0 : index
    %get3A_11 = vector.load %arg1[%get3A_9, %get3A_10] : memref<128x128xf32, #tpu.memory_space<vmem>>, vector<128x128xf32>
    %dot_general3A = arith.constant dense<0.000000e+00> : vector<10000x128xf32>
    %dot_general3A_12 = tpu.matmul %add3A, %get3A_11, %dot_general3A {dimension_numbers = #tpu.dot_dimension_numbers<[1], [0], [0], [1], [0, 0, 1, 1], [], []>, transpose_lhs_hint = false} : vector<10000x128xf32>, vector<128x128xf32>, vector<10000x128xf32> -> vector<10000x128xf32>
    %get3A_13 = arith.constant 0 : index
    %get3A_14 = arith.constant 0 : index
    %get3A_15 = vector.load %arg2[%get3A_13, %get3A_14] : memref<1x128xf32, #tpu.memory_space<vmem>>, vector<1x128xf32>
    %add3A_16 = vector.broadcast %get3A_15 : vector<1x128xf32> to vector<10000x128xf32>
    %add3A_17 = arith.addf %dot_general3A_12, %add3A_16 : vector<10000x128xf32>
    %reduce_sum3A = arith.constant dense<0.000000e+00> : vector<128xf32>
    %reduce_sum3A_18 = vector.multi_reduction <add>, %add3A_17, %reduce_sum3A [0] : vector<10000x128xf32> to vector<128xf32>
    %broadcast_in_dim3A = vector.shape_cast %reduce_sum3A_18 : vector<128xf32> to vector<1x128xf32>
    %div3A = arith.constant 1.000000e+04 : f32
    %div3A_19 = vector.broadcast %div3A : f32 to vector<1x128xf32>
    %div3A_20 = arith.divf %broadcast_in_dim3A, %div3A_19 : vector<1x128xf32>
    %sub3A = vector.broadcast %div3A_20 : vector<1x128xf32> to vector<10000x128xf32>
    %sub3A_21 = arith.subf %add3A_17, %sub3A : vector<10000x128xf32>
    %sub3A_22 = vector.broadcast %div3A_20 : vector<1x128xf32> to vector<10000x128xf32>
    %sub3A_23 = arith.subf %add3A_17, %sub3A_22 : vector<10000x128xf32>
    %mul3A = arith.mulf %sub3A_21, %sub3A_23 : vector<10000x128xf32>
    %reduce_sum3A_24 = arith.constant dense<0.000000e+00> : vector<128xf32>
    %reduce_sum3A_25 = vector.multi_reduction <add>, %mul3A, %reduce_sum3A_24 [0] : vector<10000x128xf32> to vector<128xf32>
    %broadcast_in_dim3A_26 = vector.shape_cast %reduce_sum3A_25 : vector<128xf32> to vector<1x128xf32>
    %div3A_27 = arith.constant 1.000000e+04 : f32
    %div3A_28 = vector.broadcast %div3A_27 : f32 to vector<1x128xf32>
    %div3A_29 = arith.divf %broadcast_in_dim3A_26, %div3A_28 : vector<1x128xf32>
    %get3A_30 = arith.constant 0 : index
    %get3A_31 = arith.constant 0 : index
    %get3A_32 = vector.load %arg5[%get3A_30, %get3A_31] : memref<1x128xf32, #tpu.memory_space<vmem>>, vector<1x128xf32>
    %sub3A_33 = vector.broadcast %div3A_20 : vector<1x128xf32> to vector<10000x128xf32>
    %sub3A_34 = arith.subf %add3A_17, %sub3A_33 : vector<10000x128xf32>
    %mul3A_35 = vector.broadcast %get3A_32 : vector<1x128xf32> to vector<10000x128xf32>
    %mul3A_36 = arith.mulf %mul3A_35, %sub3A_34 : vector<10000x128xf32>
    %add3A_37 = arith.constant 9.99999974E-6 : f32
    %add3A_38 = vector.broadcast %add3A_37 : f32 to vector<1x128xf32>
    %add3A_39 = arith.addf %div3A_29, %add3A_38 : vector<1x128xf32>
    %rsqrt3A = math.rsqrt %add3A_39 : vector<1x128xf32>
    %mul3A_40 = vector.broadcast %rsqrt3A : vector<1x128xf32> to vector<10000x128xf32>
    %mul3A_41 = arith.mulf %mul3A_36, %mul3A_40 : vector<10000x128xf32>
    %get3A_42 = arith.constant 0 : index
    %get3A_43 = arith.constant 0 : index
    %get3A_44 = vector.load %arg6[%get3A_42, %get3A_43] : memref<1x128xf32, #tpu.memory_space<vmem>>, vector<1x128xf32>
    %add3A_45 = vector.broadcast %get3A_44 : vector<1x128xf32> to vector<10000x128xf32>
    %add3A_46 = arith.addf %mul3A_41, %add3A_45 : vector<10000x128xf32>
    %max3A = arith.constant 0.000000e+00 : f32
    %max3A_47 = vector.broadcast %max3A : f32 to vector<10000x128xf32>
    %max3A_48 = arith.maximumf %add3A_46, %max3A_47 : vector<10000x128xf32>
    %get3A_49 = arith.constant 0 : index
    %get3A_50 = arith.constant 0 : index
    %get3A_51 = vector.load %arg3[%get3A_49, %get3A_50] : memref<128x128xf32, #tpu.memory_space<vmem>>, vector<128x128xf32>
    %dot_general3A_52 = arith.constant dense<0.000000e+00> : vector<10000x128xf32>
    %dot_general3A_53 = tpu.matmul %max3A_48, %get3A_51, %dot_general3A_52 {dimension_numbers = #tpu.dot_dimension_numbers<[1], [0], [0], [1], [0, 0, 1, 1], [], []>, transpose_lhs_hint = false} : vector<10000x128xf32>, vector<128x128xf32>, vector<10000x128xf32> -> vector<10000x128xf32>
    %get3A_54 = arith.constant 0 : index
    %get3A_55 = arith.constant 0 : index
    %get3A_56 = vector.load %arg4[%get3A_54, %get3A_55] : memref<1x128xf32, #tpu.memory_space<vmem>>, vector<1x128xf32>
    %add3A_57 = vector.broadcast %get3A_56 : vector<1x128xf32> to vector<10000x128xf32>
    %add3A_58 = arith.addf %dot_general3A_53, %add3A_57 : vector<10000x128xf32>
    %reduce_sum3A_59 = arith.constant dense<0.000000e+00> : vector<128xf32>
    %reduce_sum3A_60 = vector.multi_reduction <add>, %add3A_58, %reduce_sum3A_59 [0] : vector<10000x128xf32> to vector<128xf32>
    %broadcast_in_dim3A_61 = vector.shape_cast %reduce_sum3A_60 : vector<128xf32> to vector<1x128xf32>
    %div3A_62 = arith.constant 1.000000e+04 : f32
    %div3A_63 = vector.broadcast %div3A_62 : f32 to vector<1x128xf32>
    %div3A_64 = arith.divf %broadcast_in_dim3A_61, %div3A_63 : vector<1x128xf32>
    %sub3A_65 = vector.broadcast %div3A_64 : vector<1x128xf32> to vector<10000x128xf32>
    %sub3A_66 = arith.subf %add3A_58, %sub3A_65 : vector<10000x128xf32>
    %sub3A_67 = vector.broadcast %div3A_64 : vector<1x128xf32> to vector<10000x128xf32>
    %sub3A_68 = arith.subf %add3A_58, %sub3A_67 : vector<10000x128xf32>
    %mul3A_69 = arith.mulf %sub3A_66, %sub3A_68 : vector<10000x128xf32>
    %reduce_sum3A_70 = arith.constant dense<0.000000e+00> : vector<128xf32>
    %reduce_sum3A_71 = vector.multi_reduction <add>, %mul3A_69, %reduce_sum3A_70 [0] : vector<10000x128xf32> to vector<128xf32>
    %broadcast_in_dim3A_72 = vector.shape_cast %reduce_sum3A_71 : vector<128xf32> to vector<1x128xf32>
    %div3A_73 = arith.constant 1.000000e+04 : f32
    %div3A_74 = vector.broadcast %div3A_73 : f32 to vector<1x128xf32>
    %div3A_75 = arith.divf %broadcast_in_dim3A_72, %div3A_74 : vector<1x128xf32>
    %get3A_76 = arith.constant 0 : index
    %get3A_77 = arith.constant 0 : index
    %get3A_78 = vector.load %arg7[%get3A_76, %get3A_77] : memref<1x128xf32, #tpu.memory_space<vmem>>, vector<1x128xf32>
    %sub3A_79 = vector.broadcast %div3A_64 : vector<1x128xf32> to vector<10000x128xf32>
    %sub3A_80 = arith.subf %add3A_58, %sub3A_79 : vector<10000x128xf32>
    %mul3A_81 = vector.broadcast %get3A_78 : vector<1x128xf32> to vector<10000x128xf32>
    %mul3A_82 = arith.mulf %mul3A_81, %sub3A_80 : vector<10000x128xf32>
    %add3A_83 = arith.constant 9.99999974E-6 : f32
    %add3A_84 = vector.broadcast %add3A_83 : f32 to vector<1x128xf32>
    %add3A_85 = arith.addf %div3A_75, %add3A_84 : vector<1x128xf32>
    %rsqrt3A_86 = math.rsqrt %add3A_85 : vector<1x128xf32>
    %mul3A_87 = vector.broadcast %rsqrt3A_86 : vector<1x128xf32> to vector<10000x128xf32>
    %mul3A_88 = arith.mulf %mul3A_82, %mul3A_87 : vector<10000x128xf32>
    %get3A_89 = arith.constant 0 : index
    %get3A_90 = arith.constant 0 : index
    %get3A_91 = vector.load %arg8[%get3A_89, %get3A_90] : memref<1x128xf32, #tpu.memory_space<vmem>>, vector<1x128xf32>
    %add3A_92 = vector.broadcast %get3A_91 : vector<1x128xf32> to vector<10000x128xf32>
    %add3A_93 = arith.addf %mul3A_88, %add3A_92 : vector<10000x128xf32>
    %max3A_94 = arith.constant 0.000000e+00 : f32
    %max3A_95 = vector.broadcast %max3A_94 : f32 to vector<10000x128xf32>
    %max3A_96 = arith.maximumf %add3A_93, %max3A_95 : vector<10000x128xf32>
    %swap3A = arith.constant 0 : index
    %swap3A_97 = arith.constant 0 : index
    %swap3A_98 = vector.load %arg9[%swap3A, %swap3A_97] : memref<10000x128xf32, #tpu.memory_space<vmem>>, vector<10000x128xf32>
    tpu.vector_store %arg9[%swap3A, %swap3A_97], %max3A_96 {strides = array<i32>} : memref<10000x128xf32, #tpu.memory_space<vmem>>, vector<10000x128xf32>,
    return
  }
}

</mosaic_0001>

<sc_bundles>
// kernel: kernel.4.cloned.1.call-start
scs
__scs_entry_jumppad:
0x0: {  	(pc) =	sbr.rel $0x88, $3  }
0x1: {  	(tag) =	ssettag $0x0;
	lr =	simm.s32 $0x1  }
0x2: {  	[smem:$0x3F96] =	sst lr;
	_ =	strace $0xD0000000  }
0x3: {  	_ = 	snop  }
0x4: {  	_ = 	snop  }
0x5: {  	_ = 	snop  }
0x6: {  	_ = 	snop  }
0x7: {  	_ = 	snop  }
__scs_overlays_trampoline_lowered:
0x8: {  	[smem:$0x3FA5] =	sst s0  }
0x9: {  	[smem:$0x3FA6] =	sst s1  }
0xa: {  	[smem:$0x3FA7] =	sst s2  }
0xb: {  	[smem:$0x3FA8] =	sst s3  }
0xc: {  	[smem:$0x3FA9] =	sst s4  }
0xd: {  	[smem:$0x3FAA] =	sst s5  }
0xe: {  	[smem:$0x3FAB] =	sst s6  }
0xf: {  	[smem:$0x3FAC] =	sst s7  }
0x10: {  	[smem:$0x3FAD] =	sst s8  }
0x11: {  	[smem:$0x3FAE] =	sst s9;
	s0 =	simm.s32 @!p0 $0x0  }
0x12: {  	s1 =	sld [smem:$0x3F94];
	s0 =	simm.s32 @p0 $0x1  }
0x13: {  	[smem:$0x3FAF] =	sst s0;
	s0 =	simm.s32 @!p1 $0x0  }
0x14: {  	s2 =	sld [smem:$0x3F93];
	s0 =	simm.s32 @p1 $0x1  }
0x15: {  	[smem:$0x3FB0] =	sst s0;
	s0 =	simm.s32 @!p2 $0x0  }
0x16: {  	s3 =	sld [smem:$0x3FDB];
	s0 =	simm.s32 @p2 $0x1  }
0x17: {  	s4 =	simm.s32 $0x1BF5;
	[smem:$0x3FB2] =	sst s0  }
0x18: {  	s0 =	sld [smem:$0x3F95];
	_ =	swait.ge [sflag:s4], $0x0  }
0x19: {  	s7 =	sld [smem:$0x3F96]  }
0x1a: {  	s8 =	sadd.s32 $0xFFFFE003, lr  }
0x1b: {  	s9 =	sadd.s32 $0xFFFFFEF7, lr;
	s5 =	simm.s32 $0xFFFFFFFF;
	p2 =	slt.u32 s8, $0xFFFFF086  }
0x1c: {  	p1 =	slt.u32 s9, $0xF7A;
	s5 =	simm.s32 @!p2 $0x0  }
0x1d: {  	s5 =	simm.s32 @p1 $0x1;
	p0 =	seq.s32 s7, s2  }
0x1e: {  	s7 =	smul.u32 @!p0 $0xF7A, s2;
	p2 =	seq.s32 @!p0 s5, $0x0  }
0x1f: {  	s9 =	smul.u32 $0xF7A, s1;
	s8 =	simm.s32 @!p0 $0x1BF5;
	p2 =	por !p2, p0  }
0x20: {  	[sflag:s8] =	ssyncset.s32 @!p0 $0xFFFFF086;
	s6 =	sadd.s32 @!p0 s3, s7;
	s7 =	simm.s32 @!p0 $0x108  }
0x21: {  	s3 =	sadd.s32 s3, s9;
	s6 =	sadd.s32 @!p0 $0x88, s6;
	s7 =	simm.s32 @p2 $0x1082  }
0x22: {  	[simem:s7], [sflag:s8] =	dma.local @!p0 [hbm:s6], $0xF7A  }
0x23: {  	s9 =	sor.u32 $0xD0000000, s2;
	s6 =	simm.s32 $0x108;
	_ =	swait.ge @!p0 [sflag:s8], $0x0  }
0x24: {  	s3 =	sadd.s32 $0x88, s3;
	s6 =	simm.s32 @!p1 $0x1082;
	[sflag:s4] =	ssyncset.s32 $0xFFFFF086  }
0x25: {  	[simem:s6], [sflag:s4] =	dma.local [hbm:s3], $0xF7A  }
0x26: {  	[smem:$0x3F96] =	sst s1;
	(tag) =	ssettag s2;
	_ =	strace s9  }
0x27: {  	s1 =	sld [smem:$0x3FA6]  }
0x28: {  	s2 =	sld [smem:$0x3FA7]  }
0x29: {  	s4 =	sld [smem:$0x3FA9]  }
0x2a: {  	p0 =	seq.s32 s5, $0x0;
	s5 =	sld [smem:$0x3FAA]  }
0x2b: {  	s6 =	sld [smem:$0x3FAB]  }
0x2c: {  	s7 =	sld [smem:$0x3FAC]  }
0x2d: {  	s3 =	simm.s32 $0x108;
	s8 =	sld [smem:$0x3FAD]  }
0x2e: {  	s3 =	simm.s32 @!p0 $0x1082;
	s9 =	sld [smem:$0x3FAE]  }
0x2f: {  	lr =	sadd.s32 s0, s3;
	s0 =	sld [smem:$0x3FA5]  }
0x30: {  	s3 =	sld [smem:$0x3FA8]  }
0x31: {  	[smem:$0x3FB1] =	sst s10  }
0x32: {  	s10 =	sld [smem:$0x3FAF];
	_ =	sdelay $0x3  }
0x33: {  	p0 =	seq.s32 s10, $0x1;
	s10 =	sld [smem:$0x3FB1];
	_ =	sdelay $0x3  }
0x34: {  	[smem:$0x3FB1] =	sst s10  }
0x35: {  	s10 =	sld [smem:$0x3FB0];
	_ =	sdelay $0x3  }
0x36: {  	p1 =	seq.s32 s10, $0x1;
	s10 =	sld [smem:$0x3FB1];
	_ =	sdelay $0x3  }
0x37: {  	[smem:$0x3FB1] =	sst s10  }
0x38: {  	s10 =	sld [smem:$0x3FB2]  }
0x39: {  	_ = 	snop;
	(pc) =	sbr.ind lr, $3  }
0x3a: {  	_ = 	snop  }
0x3b: {  	_ = 	snop  }
0x3c: {  	p2 =	seq.s32 s10, $0x1;
	s10 =	sld [smem:$0x3FB1]  }
0x3d: {  	_ =	shalt  }
0x3e: {  	_ =	shalt  }
0x3f: {  	_ =	shalt  }
0x40: {  	_ =	shalt  }
0x41: {  	_ =	shalt  }
0x42: {  	_ =	shalt  }
0x43: {  	_ =	shalt  }
0x44: {  	_ =	shalt  }
0x45: {  	_ =	shalt  }
0x46: {  	_ =	shalt  }
0x47: {  	_ =	shalt  }
0x48: {  	_ =	shalt  }
0x49: {  	_ =	shalt  }
0x4a: {  	_ =	shalt  }
0x4b: {  	_ =	shalt  }
0x4c: {  	_ =	shalt  }
0x4d: {  	_ =	shalt  }
0x4e: {  	_ =	shalt  }
0x4f: {  	_ =	shalt  }
0x50: {  	_ =	shalt  }
0x51: {  	_ =	shalt  }
0x52: {  	_ =	shalt  }
0x53: {  	_ =	shalt  }
0x54: {  	_ =	shalt  }
0x55: {  	_ =	shalt  }
0x56: {  	_ =	shalt  }
0x57: {  	_ =	shalt  }
0x58: {  	_ =	shalt  }
0x59: {  	_ =	shalt  }
0x5a: {  	_ =	shalt  }
0x5b: {  	_ =	shalt  }
0x5c: {  	_ =	shalt  }
0x5d: {  	_ =	shalt  }
0x5e: {  	_ =	shalt  }
0x5f: {  	_ =	shalt  }
0x60: {  	_ =	shalt  }
0x61: {  	_ =	shalt  }
0x62: {  	_ =	shalt  }
0x63: {  	_ =	shalt  }
0x64: {  	_ =	shalt  }
0x65: {  	_ =	shalt  }
0x66: {  	_ =	shalt  }
0x67: {  	_ =	shalt  }
0x68: {  	_ =	shalt  }
0x69: {  	_ =	shalt  }
0x6a: {  	_ =	shalt  }
0x6b: {  	_ =	shalt  }
0x6c: {  	_ =	shalt  }
0x6d: {  	_ =	shalt  }
0x6e: {  	_ =	shalt  }
0x6f: {  	_ =	shalt  }
0x70: {  	_ =	shalt  }
0x71: {  	_ =	shalt  }
0x72: {  	_ =	shalt  }
0x73: {  	_ =	shalt  }
0x74: {  	_ =	shalt  }
0x75: {  	_ =	shalt  }
0x76: {  	_ =	shalt  }
0x77: {  	_ =	shalt  }
0x78: {  	_ =	shalt  }
0x79: {  	_ =	shalt  }
0x7a: {  	_ =	shalt  }
0x7b: {  	_ =	shalt  }
0x7c: {  	_ =	shalt  }
0x7d: {  	_ =	shalt  }
0x7e: {  	_ =	shalt  }
0x7f: {  	_ =	shalt  }
0x80: {  	_ =	shalt  }
0x81: {  	_ =	shalt  }
0x82: {  	_ =	shalt  }
0x83: {  	_ =	shalt  }
0x84: {  	_ =	shalt  }
0x85: {  	_ =	shalt  }
0x86: {  	_ =	shalt  }
0x87: {  	_ =	shalt  }
.Lfunc_end0:
.L_simem_size_0:
called_computation_lowered:
.L_overlay_start_0:
0x88: {  	s2 =	sld [smem:$0x3FD9]  }
0x89: {  	s3 =	sld [smem:$0x3FFE];
	_ =	sdelay $0x1  }
0x8a: {  	s1 =	srdreg.scid  }
0x8b: {  	s0 =	sand.u32 $0x1, s1  }
0x8c: {  	s17 =	sshll.u32 s0, $0xA;
	s2 =	sadd.s32 s3, s2  }
0x8d: {  	s2 =	sadd.s32 s2, s17  }
0x8e: {  	[smem:$0x3FBD] =	sst s2  }
0x8f: {  	_ = 	snop  }
0x90: {  	s2 =	sld [smem:$0x3FC9]  }
0x91: {  	s18 =	sld [smem:$0x3FC7]  }
0x92: {  	s4 =	sld [smem:$0x3FD0];
	(tm) =	ssettm $0x1  }
0x93: {  	s5 =	sld [smem:$0x3FFB];
	_ =	sdelay $0x3  }
0x94: {  	_ =	strace s5  }
0x95: {  	s5 =	sld [smem:$0x3FFC];
	_ =	sdelay $0x3  }
0x96: {  	_ =	strace s5  }
0x97: {  	s5 =	sld [smem:$0x3FFD];
	_ =	sdelay $0x3  }
0x98: {  	_ =	strace s5  }
0x99: {  	_ =	strace $0x8FFFFFFF  }
0x9a: {  	s19 =	sld [smem:$0x3FDB];
	_ =	sdelay $0x1  }
0x9b: {  	s6 =	simm.s32 $_scs_section_size  }
0x9c: {  	s7 =	simm.s32 $_size__tile_overlayer_lowered;
	s8 =	simm.s32 $_tile_overlayer_lowered  }
0x9d: {  	s22 =	simm.s32 $0x1BFF;
	s21 =	sshll.u32 s8, $0x1;
	s5 =	sadd.s32 s6, s19  }
0x9e: {  	s9 =	simm.s32 $0x0;
	s20 =	sshll.u32 s7, $0x1;
	s7 =	sadd.s32 s21, s5  }
0x9f: {  	[timem:s9], [sflag:s22] =	dma.local [hbm:s7], s20  }
0xa0: {  	_ =	swait.ge [sflag:s22], s20  }
0xa1: {  	s6 =	ssub.s32 $0x0, s20;
	[sflag:s22] =	ssyncset.done $0x0  }
0xa2: {  	[sflag:s22] =	ssyncadd.s32 s6;
	_ =	sdelay $0x1  }
0xa3: {  	s23 =	simm.s32 $0x1B8B  }
0xa4: {  	_ =	swait.ge [sflag:s23], $0x1  }
0xa5: {  	[sflag:s23] =	ssyncset.done $0x0  }
0xa6: {  	s25 =	simm.s32 $0x1B8E;
	s24 =	sld [smem:$0x3FFE];
	[sflag:s23] =	ssyncadd.s32 $0xFFFFFFFF  }
0xa7: {  	s26 =	simm.s32 $execute0_lowered;
	[smem:$0x3FD2] =	sst s25  }
0xa8: {  	s7 =	sshll.u32 s26, $0x1;
	_ =	strace $0x80000046;
	[dreg:$0x1] =	wrdreg $0xFFFFFFFF  }
0xa9: {  	s28 =	simm.s32 $_size_execute0_lowered;
	s5 =	sadd.s32 s5, s7;
	[dreg:$0x0] =	wrdreg $0x0  }
0xaa: {  	s7 =	sshll.u32 s28, $0x1;
	[dreg:$0x2] =	wrdreg s5  }
0xab: {  	[dreg:$0x3] =	wrdreg s7  }
0xac: {  	[dreg:$0x4] =	wrdreg $0xC0  }
0xad: {  	_ =	task [dreg:s9], $0x5FFFF  }
0xae: {  	[dreg:$0x1] =	wrdreg $0xFFFFFFFF  }
0xaf: {  	[dreg:$0x0] =	wrdreg $0x60  }
0xb0: {  	[dreg:$0x2] =	wrdreg s2  }
0xb1: {  	[dreg:$0x3] =	wrdreg s24  }
0xb2: {  	[dreg:$0x4] =	wrdreg s18  }
0xb3: {  	[dreg:$0x5] =	wrdreg s4  }
0xb4: {  	[dreg:$0x6] =	wrdreg $0xB7000  }
0xb5: {  	[dreg:$0x7] =	wrdreg $0x9  }
0xb6: {  	_ =	task.clear_ibuf [dreg:s9], $0x8FFFF;
	_ =	strace $0x90000046  }
0xb7: {  	s29 =	simm.s32 $0x9;
	_ =	strace $0x80000048  }
0xb8: {  	_ =	swait.ge [sflag:s29], $0x1  }
0xb9: {  	[sflag:s29] =	ssyncadd.s32 $0xFFFFFFFF  }
0xba: {  	_ =	strace $0x90000048  }
0xbb: {  	_ =	sfence  }
0xbc: {  	s30 =	sld [smem:$0x0];
	_ =	sdelay $0x2  }
0xbd: {  	s31 =	sshll.u32 s1, $0xD;
	s1 =	sshrl.u32 s1, $0x2  }
0xbe: {  	s3 =	sand.u32 $0x4000, s31;
	s1 =	sadd.s32 s1, s30  }
0xbf: {  	s0 =	sor.u32 s3, s0;
	s1 =	sshll.u32 s1, $0x11  }
0xc0: {  	s0 =	sor.u32 s1, s0  }
0xc1: {  	s0 =	sadd.s32 $0x8F2B, s0  }
0xc2: {  	[sflag:s0] =	ssyncadd.remote.s32 $0x1  }
0xc3: {  	_ =	sfence.sel $0xFFFF  }
0xc4: {  	[dreg:$0x0] =	wrdreg $0xFFFFFFFF;
	(pc) =	sbr.abs _section_cstart, $3  }
0xc5: {  	[dreg:$0x1] =	wrdreg $0xFFFFFFFF  }
0xc6: {  	_ =	task.clear_ibuf [dreg:s9], $0x2FFFF;
	_ =	strace $0x9FFFFFFF  }
0xc7: {  	(tm) =	ssettm $0x7FFFFFFF  }
tec
execute0_lowered:
.L_overlay_start_1:
0x0: {  	(tag) =	ssettag $0x1  }
0x1: {  	s1 =	rddreg [dreg:$0x0]  }
0x2: {  	s5 =	rddreg [dreg:$0x1]  }
0x3: {  	s7 =	rddreg [dreg:$0x2]  }
0x4: {  	s2 =	srdreg.scid;
	s9 =	rddreg [dreg:$0x3]  }
0x5: {  	s0 =	stileid.u32;
	s3 =	rddreg [dreg:$0x4];
	s4 =	simm.s32 $0x0  }
0x6: {  	s19 =	simm.s32 $0x50;
	s20 =	simm.s32 $0x8F00;
	s21 =	simm.s32 $0x1  }
0x7: {  	s22 =	simm.s32 $0x0;
	s8 =	sand.u32 $0x1, s2;
	s2 =	rddreg [dreg:$0x5]  }
0x8: {  	s24 =	sshll.u32 s0, $0x1;
	[smem:$0x7FF] =	sst s4;
	s13 =	smul.u32 $0x4E000, s0  }
0x9: {  	s14 =	sadd.s32 $0x1AC00, s5;
	s15 =	smul.u32 $0x13800, s0;
	s18 =	sadd.s32 $0x138000, s3  }
0xa: {  	p0 =	sne.s32 s0, $0xF;
	s31 =	sshll.u32 s0, $0x6;
	s6 =	sor.u32 s8, s24  }
0xb: {  	_ =	strace $0x80000047;
	s12 =	ssub.s32 $0x2, s8;
	s16 =	smul.u32 $0x138800, s8  }
0xc: {  	s18 =	sshrl.u32 @!p0 s18, $0x3;
	s10 =	smul.u32 $0x4E2, s6;
	s6 =	sshll.u32 s6, $0xB  }
0xd: {  	s25 =	sshrl.u32 s12, $0x1;
	s26 =	sshrl.u32 s13, $0x2;
	s28 =	sshrl.u32 s15, $0x3  }
0xe: {  	s13 =	simm.s32 $0x2;
	s6 =	sadd.s32 s6, s5;
	s12 =	ssub.s32 s12, s25  }
0xf: {  	s17 =	sadd.s32 s26, s3;
	s8 =	sadd.s32 s9, s28;
	s29 =	sadd.s32 s15, s16  }
0x10: {  	s30 =	sshrl.u32 s16, $0x3;
	s9 =	sadd.s32 $0x27000, s9;
	s15 =	simm.s32 $0x6780  }
0x11: {  	s16 =	sor.u32 $0x1C02, s31;
	s11 =	sadd.s32 s10, s5;
	s6 =	sadd.s32 $0xAC00, s6  }
0x12: {  	s7 =	sadd.s32 s7, s10;
	s10 =	sshrl.u32 s29, $0x3;
	s12 =	smax.u32 s12, $0x1  }
0x13: {  	s17 =	sshrl.u32 s17, $0x3;
	s5 =	sadd.s32 $0xE00, s11;
	s11 =	sadd.s32 s14, s30  }
0x14: {  	s10 =	sadd.s32 s14, s10;
	s14 =	simm.s32 $0x2780;
	s11 =	sadd.s32 $0x27000, s11  }
.LBB2_1:
0x15: {  	[tilespmem:s4], [sflag:$0x2] =	stream.linear.gather [hbm4b:s5+s4], $0x2710, $0x38;
	[tilespmem:$0x1EF80] =	vst v63  }
0x16: {  	_ =	swait.ge [sflag:s13], $0x2710  }
0x17: {  	[sflag:s13] =	ssyncset.done $0x0  }
0x18: {  	[sflag:s13] =	ssyncadd.s32 $0xFFFFD8F0  }
0x19: {  	[tilespmem:s14], [sflag:$0x2] =	stream.linear.gather [hbm4b:s6+s4], $0x3E80, $0x38;
	[tilespmem:$0x1EF80] =	vst v63  }
0x1a: {  	_ =	swait.ge [sflag:s13], $0x3E80  }
0x1b: {  	[sflag:s13] =	ssyncset.done $0x0  }
0x1c: {  	[sflag:s13] =	ssyncadd.s32 $0xFFFFC180  }
0x1d: {  	[tilespmem:s15], [sflag:$0x2] =	stream.linear.gather [hbm4b:s7+s4], $0x2710, $0x38;
	[tilespmem:$0x1EF80] =	vst v63  }
0x1e: {  	_ =	swait.ge [sflag:s13], $0x2710  }
0x1f: {  	[sflag:s13] =	ssyncset.done $0x0  }
0x20: {  	[sflag:s13] =	ssyncadd.s32 $0xFFFFD8F0  }
0x21: {  	[spmem:s17], [sflag:s16] =	dma.local [hbm:s8], $0x2700  }
0x22: {  	_ =	swait.ge [sflag:s13], $0x2700  }
0x23: {  	[sflag:s13] =	ssyncset.done $0x0  }
0x24: {  	s23 =	simm.s32 @!p0 $0x2;
	[sflag:s13] =	ssyncadd.s32 $0xFFFFD900  }
0x25: {  	[spmem:s18], [sflag:s16] =	dma.local @!p0 [hbm:s9], $0x100  }
0x26: {  	_ =	swait.ge @!p0 [sflag:s23], $0x100  }
0x27: {  	[sflag:s23] =	ssyncset.done @!p0 $0x0  }
0x28: {  	[sflag:s23] =	ssyncadd.s32 @!p0 $0xFFFFFF00  }
0x29: {  	s23 =	simm.s32 $0x0;
	[bflag:$0x0] =	sbarrier.arrive $0xFFFF  }
.LBB2_2:
0x2a: {  	s24 =	smul.u32 $0x50, s23;
	_ =	sdelay $0x1  }
0x2b: {  	[tilespmem:s20], [sflag:$0x1] =	stream.indirect.gather [hbm4b:s1+s19], $0x80, s24, s19, $0xb8;
	[tilespmem:$0x1EF80] =	vst v63  }
0x2c: {  	s25 =	sadd.s32 $0x6780, s24  }
0x2d: {  	_ =	swait.ge [sflag:s21], $0x2800;
	v0 =	vmov s25  }
0x2e: {  	[sflag:s21] =	ssyncset.done $0x0  }
0x2f: {  	s24 =	simm.s32 $0x0;
	[sflag:s21] =	ssyncadd.s32 $0xFFFFD800  }
.LBB2_3:
0x30: {  	s25 =	sshll.u32 s24, $0x4  }
0x31: {  	s25 =	sand.u32 $0x3FFFFFF0, s25  }
0x32: {  	s31 =	sshll.u32 s24, $0xB;
	v1 =	vld.idx.msk [tilespmem:v0+s25+$0x0 ss:$0x1], $0xffff  }
0x33: {  	s25 =	sand.u32 $0x3FFFF800, s31  }
0x34: {  	v2 =	vld [tilespmem:s25+$0x8F00]  }
0x35: {  	v3 =	vld [tilespmem:s25+$0x8F10]  }
0x36: {  	v4 =	vld [tilespmem:s25+$0x8F20]  }
0x37: {  	v6 =	vld [tilespmem:s25+$0x8F30];
	v5 =	vbroadcast v1, $0x0  }
0x38: {  	v7 =	vld [tilespmem:s25+$0x8F40]  }
0x39: {  	v8 =	vld [tilespmem:s25+$0x8F50];
	v2 =	vmul.f32 v5, v2  }
0x3a: {  	v9 =	vld [tilespmem:s25+$0x8F60];
	v3 =	vmul.f32 v3, v5  }
0x3b: {  	v34 =	vld [tilespmem:s25+$0x8F70];
	[tilespmem:s25+$0x8F00] =	vst v2;
	v2 =	vmul.f32 v4, v5  }
0x3c: {  	v35 =	vld [tilespmem:s25+$0x8F80];
	[tilespmem:s25+$0x8F10] =	vst v3;
	v3 =	vmul.f32 v6, v5  }
0x3d: {  	v36 =	vld [tilespmem:s25+$0x8F90];
	[tilespmem:s25+$0x8F20] =	vst v2;
	v2 =	vmul.f32 v7, v5  }
0x3e: {  	v37 =	vld [tilespmem:s25+$0x8FA0];
	[tilespmem:s25+$0x8F30] =	vst v3;
	v3 =	vmul.f32 v8, v5  }
0x3f: {  	v10 =	vld [tilespmem:s25+$0x8FB0];
	v38 =	vbroadcast v1, $0x1;
	[tilespmem:s25+$0x8F40] =	vst v2;
	v2 =	vmul.f32 v9, v5  }
0x40: {  	v39 =	vld [tilespmem:s25+$0x8FC0];
	[tilespmem:s25+$0x8F50] =	vst v3;
	v3 =	vmul.f32 v34, v5  }
0x41: {  	v40 =	vld [tilespmem:s25+$0x8FD0];
	[tilespmem:s25+$0x8F60] =	vst v2;
	v2 =	vmul.f32 v35, v38  }
0x42: {  	v41 =	vld [tilespmem:s25+$0x8FE0];
	[tilespmem:s25+$0x8F70] =	vst v3;
	v3 =	vmul.f32 v36, v38  }
0x43: {  	v42 =	vld [tilespmem:s25+$0x8FF0];
	[tilespmem:s25+$0x8F80] =	vst v2;
	v2 =	vmul.f32 v37, v38  }
0x44: {  	v43 =	vld [tilespmem:s25+$0x9000];
	[tilespmem:s25+$0x8F90] =	vst v3;
	v3 =	vmul.f32 v10, v38  }
0x45: {  	v44 =	vld [tilespmem:s25+$0x9010];
	[tilespmem:s25+$0x8FA0] =	vst v2;
	v2 =	vmul.f32 v39, v38  }
0x46: {  	v45 =	vld [tilespmem:s25+$0x9020];
	[tilespmem:s25+$0x8FB0] =	vst v3;
	v3 =	vmul.f32 v40, v38  }
0x47: {  	v47 =	vld [tilespmem:s25+$0x9030];
	v46 =	vbroadcast v1, $0x2;
	[tilespmem:s25+$0x8FC0] =	vst v2;
	v2 =	vmul.f32 v41, v38  }
0x48: {  	v48 =	vld [tilespmem:s25+$0x9040];
	[tilespmem:s25+$0x8FD0] =	vst v3;
	v3 =	vmul.f32 v42, v38  }
0x49: {  	v49 =	vld [tilespmem:s25+$0x9050];
	[tilespmem:s25+$0x8FE0] =	vst v2;
	v2 =	vmul.f32 v43, v46  }
0x4a: {  	v50 =	vld [tilespmem:s25+$0x9060];
	[tilespmem:s25+$0x8FF0] =	vst v3;
	v3 =	vmul.f32 v44, v46  }
0x4b: {  	v51 =	vld [tilespmem:s25+$0x9070];
	[tilespmem:s25+$0x9000] =	vst v2;
	v2 =	vmul.f32 v45, v46  }
0x4c: {  	v52 =	vld [tilespmem:s25+$0x9080];
	[tilespmem:s25+$0x9010] =	vst v3;
	v3 =	vmul.f32 v47, v46  }
0x4d: {  	v53 =	vld [tilespmem:s25+$0x9090];
	[tilespmem:s25+$0x9020] =	vst v2;
	v2 =	vmul.f32 v48, v46  }
0x4e: {  	v54 =	vld [tilespmem:s25+$0x90A0];
	[tilespmem:s25+$0x9030] =	vst v3;
	v3 =	vmul.f32 v49, v46  }
0x4f: {  	v56 =	vld [tilespmem:s25+$0x90B0];
	v55 =	vbroadcast v1, $0x3;
	[tilespmem:s25+$0x9040] =	vst v2;
	v2 =	vmul.f32 v50, v46  }
0x50: {  	v57 =	vld [tilespmem:s25+$0x90C0];
	[tilespmem:s25+$0x9050] =	vst v3;
	v3 =	vmul.f32 v51, v46  }
0x51: {  	v58 =	vld [tilespmem:s25+$0x90D0];
	[tilespmem:s25+$0x9060] =	vst v2;
	v2 =	vmul.f32 v52, v55  }
0x52: {  	v59 =	vld [tilespmem:s25+$0x90E0];
	[tilespmem:s25+$0x9070] =	vst v3;
	v3 =	vmul.f32 v53, v55  }
0x53: {  	v60 =	vld [tilespmem:s25+$0x90F0];
	[tilespmem:s25+$0x9080] =	vst v2;
	v2 =	vmul.f32 v54, v55  }
0x54: {  	v61 =	vld [tilespmem:s25+$0x9100];
	[tilespmem:s25+$0x9090] =	vst v3;
	v3 =	vmul.f32 v56, v55  }
0x55: {  	v62 =	vld [tilespmem:s25+$0x9110];
	[tilespmem:s25+$0x90A0] =	vst v2;
	v2 =	vmul.f32 v57, v55  }
0x56: {  	v63 =	vld [tilespmem:s25+$0x9120];
	[tilespmem:s25+$0x90B0] =	vst v3;
	v3 =	vmul.f32 v58, v55  }
0x57: {  	v13 =	vld [tilespmem:s25+$0x9130];
	v12 =	vbroadcast v1, $0x4;
	[tilespmem:s25+$0x90C0] =	vst v2;
	v2 =	vmul.f32 v59, v55  }
0x58: {  	v14 =	vld [tilespmem:s25+$0x9140];
	[tilespmem:s25+$0x90D0] =	vst v3;
	v3 =	vmul.f32 v60, v55  }
0x59: {  	v15 =	vld [tilespmem:s25+$0x9150];
	[tilespmem:s25+$0x90E0] =	vst v2;
	v2 =	vmul.f32 v61, v12  }
0x5a: {  	v16 =	vld [tilespmem:s25+$0x9160];
	[tilespmem:s25+$0x90F0] =	vst v3;
	v3 =	vmul.f32 v62, v12  }
0x5b: {  	v17 =	vld [tilespmem:s25+$0x9170];
	[tilespmem:s25+$0x9100] =	vst v2;
	v2 =	vmul.f32 v63, v12  }
0x5c: {  	v18 =	vld [tilespmem:s25+$0x9180];
	[tilespmem:s25+$0x9110] =	vst v3;
	v3 =	vmul.f32 v13, v12  }
0x5d: {  	v19 =	vld [tilespmem:s25+$0x9190];
	[tilespmem:s25+$0x9120] =	vst v2;
	v2 =	vmul.f32 v14, v12  }
0x5e: {  	v20 =	vld [tilespmem:s25+$0x91A0];
	[tilespmem:s25+$0x9130] =	vst v3;
	v3 =	vmul.f32 v15, v12  }
0x5f: {  	v22 =	vld [tilespmem:s25+$0x91B0];
	v21 =	vbroadcast v1, $0x5;
	[tilespmem:s25+$0x9140] =	vst v2;
	v2 =	vmul.f32 v16, v12  }
0x60: {  	v23 =	vld [tilespmem:s25+$0x91C0];
	[tilespmem:s25+$0x9150] =	vst v3;
	v3 =	vmul.f32 v17, v12  }
0x61: {  	v24 =	vld [tilespmem:s25+$0x91D0];
	[tilespmem:s25+$0x9160] =	vst v2;
	v2 =	vmul.f32 v18, v21  }
0x62: {  	v25 =	vld [tilespmem:s25+$0x91E0];
	[tilespmem:s25+$0x9170] =	vst v3;
	v3 =	vmul.f32 v19, v21  }
0x63: {  	v26 =	vld [tilespmem:s25+$0x91F0];
	[tilespmem:s25+$0x9180] =	vst v2;
	v2 =	vmul.f32 v20, v21  }
0x64: {  	v27 =	vld [tilespmem:s25+$0x9200];
	[tilespmem:s25+$0x9190] =	vst v3;
	v3 =	vmul.f32 v22, v21  }
0x65: {  	v28 =	vld [tilespmem:s25+$0x9210];
	[tilespmem:s25+$0x91A0] =	vst v2;
	v2 =	vmul.f32 v23, v21  }
0x66: {  	v29 =	vld [tilespmem:s25+$0x9220];
	[tilespmem:s25+$0x91B0] =	vst v3;
	v3 =	vmul.f32 v24, v21  }
0x67: {  	v31 =	vld [tilespmem:s25+$0x9230];
	v30 =	vbroadcast v1, $0x6;
	[tilespmem:s25+$0x91C0] =	vst v2;
	v2 =	vmul.f32 v25, v21  }
0x68: {  	v32 =	vld [tilespmem:s25+$0x9240];
	[tilespmem:s25+$0x91D0] =	vst v3;
	v3 =	vmul.f32 v26, v21  }
0x69: {  	v33 =	vld [tilespmem:s25+$0x9250];
	[tilespmem:s25+$0x91E0] =	vst v2;
	v2 =	vmul.f32 v27, v30  }
0x6a: {  	v34 =	vld [tilespmem:s25+$0x9260];
	[tilespmem:s25+$0x91F0] =	vst v3;
	v3 =	vmul.f32 v28, v30  }
0x6b: {  	v35 =	vld [tilespmem:s25+$0x9270];
	[tilespmem:s25+$0x9200] =	vst v2;
	v2 =	vmul.f32 v29, v30  }
0x6c: {  	v36 =	vld [tilespmem:s25+$0x9280];
	[tilespmem:s25+$0x9210] =	vst v3;
	v3 =	vmul.f32 v31, v30  }
0x6d: {  	v37 =	vld [tilespmem:s25+$0x9290];
	[tilespmem:s25+$0x9220] =	vst v2;
	v2 =	vmul.f32 v32, v30  }
0x6e: {  	v38 =	vld [tilespmem:s25+$0x92A0];
	[tilespmem:s25+$0x9230] =	vst v3;
	v3 =	vmul.f32 v33, v30  }
0x6f: {  	v39 =	vbroadcast v1, $0x7;
	v40 =	vld [tilespmem:s25+$0x92B0];
	[tilespmem:s25+$0x9240] =	vst v2;
	v2 =	vmul.f32 v34, v30  }
0x70: {  	v41 =	vld [tilespmem:s25+$0x92C0];
	[tilespmem:s25+$0x9250] =	vst v3;
	v3 =	vmul.f32 v35, v30  }
0x71: {  	v42 =	vld [tilespmem:s25+$0x92D0];
	[tilespmem:s25+$0x9260] =	vst v2;
	v2 =	vmul.f32 v36, v39  }
0x72: {  	v43 =	vld [tilespmem:s25+$0x92E0];
	[tilespmem:s25+$0x9270] =	vst v3;
	v3 =	vmul.f32 v37, v39  }
0x73: {  	v44 =	vld [tilespmem:s25+$0x92F0];
	[tilespmem:s25+$0x9280] =	vst v2;
	v2 =	vmul.f32 v38, v39  }
0x74: {  	v45 =	vld [tilespmem:s25+$0x9300];
	[tilespmem:s25+$0x9290] =	vst v3;
	v3 =	vmul.f32 v40, v39  }
0x75: {  	v46 =	vld [tilespmem:s25+$0x9310];
	[tilespmem:s25+$0x92A0] =	vst v2;
	v2 =	vmul.f32 v41, v39  }
0x76: {  	v47 =	vld [tilespmem:s25+$0x9320];
	[tilespmem:s25+$0x92B0] =	vst v3;
	v3 =	vmul.f32 v42, v39  }
0x77: {  	v48 =	vbroadcast v1, $0x8;
	v49 =	vld [tilespmem:s25+$0x9330];
	[tilespmem:s25+$0x92C0] =	vst v2;
	v2 =	vmul.f32 v43, v39  }
0x78: {  	v50 =	vld [tilespmem:s25+$0x9340];
	[tilespmem:s25+$0x92D0] =	vst v3;
	v3 =	vmul.f32 v44, v39  }
0x79: {  	v51 =	vld [tilespmem:s25+$0x9350];
	[tilespmem:s25+$0x92E0] =	vst v2;
	v2 =	vmul.f32 v45, v48  }
0x7a: {  	v52 =	vld [tilespmem:s25+$0x9360];
	[tilespmem:s25+$0x92F0] =	vst v3;
	v3 =	vmul.f32 v46, v48  }
0x7b: {  	v53 =	vld [tilespmem:s25+$0x9370];
	[tilespmem:s25+$0x9300] =	vst v2;
	v2 =	vmul.f32 v47, v48  }
0x7c: {  	v54 =	vld [tilespmem:s25+$0x9380];
	[tilespmem:s25+$0x9310] =	vst v3;
	v3 =	vmul.f32 v49, v48  }
0x7d: {  	v55 =	vld [tilespmem:s25+$0x9390];
	[tilespmem:s25+$0x9320] =	vst v2;
	v2 =	vmul.f32 v50, v48  }
0x7e: {  	v56 =	vld [tilespmem:s25+$0x93A0];
	[tilespmem:s25+$0x9330] =	vst v3;
	v3 =	vmul.f32 v51, v48  }
0x7f: {  	v57 =	vbroadcast v1, $0x9;
	v58 =	vld [tilespmem:s25+$0x93B0];
	[tilespmem:s25+$0x9340] =	vst v2;
	v2 =	vmul.f32 v52, v48  }
0x80: {  	v59 =	vld [tilespmem:s25+$0x93C0];
	[tilespmem:s25+$0x9350] =	vst v3;
	v3 =	vmul.f32 v53, v48  }
0x81: {  	v60 =	vld [tilespmem:s25+$0x93D0];
	[tilespmem:s25+$0x9360] =	vst v2;
	v2 =	vmul.f32 v54, v57  }
0x82: {  	v61 =	vld [tilespmem:s25+$0x93E0];
	[tilespmem:s25+$0x9370] =	vst v3;
	v3 =	vmul.f32 v55, v57  }
0x83: {  	v62 =	vld [tilespmem:s25+$0x93F0];
	[tilespmem:s25+$0x9380] =	vst v2;
	v2 =	vmul.f32 v56, v57  }
0x84: {  	v63 =	vld [tilespmem:s25+$0x9400];
	[tilespmem:s25+$0x9390] =	vst v3;
	v3 =	vmul.f32 v58, v57  }
0x85: {  	v12 =	vld [tilespmem:s25+$0x9410];
	[tilespmem:s25+$0x93A0] =	vst v2;
	v2 =	vmul.f32 v59, v57  }
0x86: {  	v13 =	vld [tilespmem:s25+$0x9420];
	[tilespmem:s25+$0x93B0] =	vst v3;
	v3 =	vmul.f32 v60, v57  }
0x87: {  	v14 =	vbroadcast v1, $0xA;
	v15 =	vld [tilespmem:s25+$0x9430];
	[tilespmem:s25+$0x93C0] =	vst v2;
	v2 =	vmul.f32 v61, v57  }
0x88: {  	v16 =	vld [tilespmem:s25+$0x9440];
	[tilespmem:s25+$0x93D0] =	vst v3;
	v3 =	vmul.f32 v62, v57  }
0x89: {  	v17 =	vld [tilespmem:s25+$0x9450];
	[tilespmem:s25+$0x93E0] =	vst v2;
	v2 =	vmul.f32 v63, v14  }
0x8a: {  	v18 =	vld [tilespmem:s25+$0x9460];
	[tilespmem:s25+$0x93F0] =	vst v3;
	v3 =	vmul.f32 v12, v14  }
0x8b: {  	v19 =	vld [tilespmem:s25+$0x9470];
	[tilespmem:s25+$0x9400] =	vst v2;
	v2 =	vmul.f32 v13, v14  }
0x8c: {  	v20 =	vld [tilespmem:s25+$0x9480];
	[tilespmem:s25+$0x9410] =	vst v3;
	v3 =	vmul.f32 v15, v14  }
0x8d: {  	v21 =	vld [tilespmem:s25+$0x9490];
	[tilespmem:s25+$0x9420] =	vst v2;
	v2 =	vmul.f32 v16, v14  }
0x8e: {  	v22 =	vld [tilespmem:s25+$0x94A0];
	[tilespmem:s25+$0x9430] =	vst v3;
	v3 =	vmul.f32 v17, v14  }
0x8f: {  	v23 =	vbroadcast v1, $0xB;
	v24 =	vld [tilespmem:s25+$0x94B0];
	[tilespmem:s25+$0x9440] =	vst v2;
	v2 =	vmul.f32 v18, v14  }
0x90: {  	v25 =	vld [tilespmem:s25+$0x94C0];
	[tilespmem:s25+$0x9450] =	vst v3;
	v3 =	vmul.f32 v19, v14  }
0x91: {  	v26 =	vld [tilespmem:s25+$0x94D0];
	[tilespmem:s25+$0x9460] =	vst v2;
	v2 =	vmul.f32 v20, v23  }
0x92: {  	v27 =	vld [tilespmem:s25+$0x94E0];
	[tilespmem:s25+$0x9470] =	vst v3;
	v3 =	vmul.f32 v21, v23  }
0x93: {  	v28 =	vld [tilespmem:s25+$0x94F0];
	[tilespmem:s25+$0x9480] =	vst v2;
	v2 =	vmul.f32 v22, v23  }
0x94: {  	v29 =	vld [tilespmem:s25+$0x9500];
	[tilespmem:s25+$0x9490] =	vst v3;
	v3 =	vmul.f32 v24, v23  }
0x95: {  	v30 =	vld [tilespmem:s25+$0x9510];
	[tilespmem:s25+$0x94A0] =	vst v2;
	v2 =	vmul.f32 v25, v23  }
0x96: {  	v31 =	vld [tilespmem:s25+$0x9520];
	[tilespmem:s25+$0x94B0] =	vst v3;
	v3 =	vmul.f32 v26, v23  }
0x97: {  	v32 =	vbroadcast v1, $0xC;
	v33 =	vld [tilespmem:s25+$0x9530];
	[tilespmem:s25+$0x94C0] =	vst v2;
	v2 =	vmul.f32 v27, v23  }
0x98: {  	v34 =	vld [tilespmem:s25+$0x9540];
	[tilespmem:s25+$0x94D0] =	vst v3;
	v3 =	vmul.f32 v28, v23  }
0x99: {  	v35 =	vld [tilespmem:s25+$0x9550];
	[tilespmem:s25+$0x94E0] =	vst v2;
	v2 =	vmul.f32 v29, v32  }
0x9a: {  	v36 =	vld [tilespmem:s25+$0x9560];
	[tilespmem:s25+$0x94F0] =	vst v3;
	v3 =	vmul.f32 v30, v32  }
0x9b: {  	v37 =	vld [tilespmem:s25+$0x9570];
	[tilespmem:s25+$0x9500] =	vst v2;
	v2 =	vmul.f32 v31, v32  }
0x9c: {  	v38 =	vld [tilespmem:s25+$0x9580];
	[tilespmem:s25+$0x9510] =	vst v3;
	v3 =	vmul.f32 v33, v32  }
0x9d: {  	v39 =	vld [tilespmem:s25+$0x9590];
	[tilespmem:s25+$0x9520] =	vst v2;
	v2 =	vmul.f32 v34, v32  }
0x9e: {  	v40 =	vld [tilespmem:s25+$0x95A0];
	[tilespmem:s25+$0x9530] =	vst v3;
	v3 =	vmul.f32 v35, v32  }
0x9f: {  	v41 =	vbroadcast v1, $0xD;
	v42 =	vld [tilespmem:s25+$0x95B0];
	[tilespmem:s25+$0x9540] =	vst v2;
	v2 =	vmul.f32 v36, v32  }
0xa0: {  	v43 =	vld [tilespmem:s25+$0x95C0];
	[tilespmem:s25+$0x9550] =	vst v3;
	v3 =	vmul.f32 v37, v32  }
0xa1: {  	v44 =	vld [tilespmem:s25+$0x95D0];
	[tilespmem:s25+$0x9560] =	vst v2;
	v2 =	vmul.f32 v38, v41  }
0xa2: {  	v45 =	vld [tilespmem:s25+$0x95E0];
	[tilespmem:s25+$0x9570] =	vst v3;
	v3 =	vmul.f32 v39, v41  }
0xa3: {  	v46 =	vld [tilespmem:s25+$0x95F0];
	[tilespmem:s25+$0x9580] =	vst v2;
	v2 =	vmul.f32 v40, v41  }
0xa4: {  	v47 =	vld [tilespmem:s25+$0x9600];
	[tilespmem:s25+$0x9590] =	vst v3;
	v3 =	vmul.f32 v42, v41  }
0xa5: {  	v48 =	vld [tilespmem:s25+$0x9610];
	[tilespmem:s25+$0x95A0] =	vst v2;
	v2 =	vmul.f32 v43, v41  }
0xa6: {  	v49 =	vld [tilespmem:s25+$0x9620];
	[tilespmem:s25+$0x95B0] =	vst v3;
	v3 =	vmul.f32 v44, v41  }
0xa7: {  	v50 =	vbroadcast v1, $0xE;
	v51 =	vld [tilespmem:s25+$0x9630];
	[tilespmem:s25+$0x95C0] =	vst v2;
	v2 =	vmul.f32 v45, v41  }
0xa8: {  	v52 =	vld [tilespmem:s25+$0x9640];
	[tilespmem:s25+$0x95D0] =	vst v3;
	v3 =	vmul.f32 v46, v41  }
0xa9: {  	v53 =	vld [tilespmem:s25+$0x9650];
	[tilespmem:s25+$0x95E0] =	vst v2;
	v2 =	vmul.f32 v47, v50  }
0xaa: {  	v54 =	vld [tilespmem:s25+$0x9660];
	[tilespmem:s25+$0x95F0] =	vst v3;
	v3 =	vmul.f32 v48, v50  }
0xab: {  	v55 =	vld [tilespmem:s25+$0x9670];
	[tilespmem:s25+$0x9600] =	vst v2;
	v2 =	vmul.f32 v49, v50  }
0xac: {  	v56 =	vld [tilespmem:s25+$0x9680];
	[tilespmem:s25+$0x9610] =	vst v3;
	v3 =	vmul.f32 v51, v50  }
0xad: {  	v57 =	vld [tilespmem:s25+$0x9690];
	[tilespmem:s25+$0x9620] =	vst v2;
	v2 =	vmul.f32 v52, v50  }
0xae: {  	v58 =	vld [tilespmem:s25+$0x96A0];
	[tilespmem:s25+$0x9630] =	vst v3;
	v3 =	vmul.f32 v53, v50  }
0xaf: {  	v1 =	vbroadcast v1, $0xF;
	v59 =	vld [tilespmem:s25+$0x96B0];
	[tilespmem:s25+$0x9640] =	vst v2;
	v2 =	vmul.f32 v54, v50  }
0xb0: {  	v60 =	vld [tilespmem:s25+$0x96C0];
	[tilespmem:s25+$0x9650] =	vst v3;
	v3 =	vmul.f32 v55, v50  }
0xb1: {  	v61 =	vld [tilespmem:s25+$0x96D0];
	[tilespmem:s25+$0x9660] =	vst v2;
	v2 =	vmul.f32 v56, v1  }
0xb2: {  	v62 =	vld [tilespmem:s25+$0x96E0];
	[tilespmem:s25+$0x9670] =	vst v3;
	v3 =	vmul.f32 v57, v1  }
0xb3: {  	v63 =	vld [tilespmem:s25+$0x96F0];
	[tilespmem:s25+$0x9680] =	vst v2;
	v2 =	vmul.f32 v58, v1  }
0xb4: {  	[tilespmem:s25+$0x9690] =	vst v3;
	v3 =	vmul.f32 v59, v1  }
0xb5: {  	p1 =	sne.s32 s24, $0x4;
	[tilespmem:s25+$0x96A0] =	vst v2;
	v2 =	vmul.f32 v60, v1  }
.Ltmp0:
0xb6: {  	[tilespmem:s25+$0x96B0] =	vst v3;
	v3 =	vmul.f32 v61, v1;
	(pc) =	sbr.rel @p1 .LBB2_3-.Ltmp0, $4  }
0xb7: {  	[tilespmem:s25+$0x96C0] =	vst v2;
	v2 =	vmul.f32 v62, v1  }
0xb8: {  	[tilespmem:s25+$0x96D0] =	vst v3;
	v1 =	vmul.f32 v63, v1  }
0xb9: {  	[tilespmem:s25+$0x96E0] =	vst v2  }
0xba: {  	s24 =	sadd.s32 $0x1, s24;
	[tilespmem:s25+$0x96F0] =	vst v1  }
0xbb: {  	s24 =	sshll.u32 s23, $0x7;
	s23 =	sadd.s32 $0x1, s23  }
0xbc: {  	s24 =	sand.u32 $0x3FFFFF80, s24;
	p1 =	sne.s32 s23, $0x7D  }
.Ltmp1:
0xbd: {  	s24 =	sadd.s32 $0x2780, s24;
	(pc) =	sbr.rel @p1 .LBB2_2-.Ltmp1, $4  }
0xbe: {  	[spmem:s3] =	stream.indirect.scatter.add.f32 [tilespmem:s20], [sflag:$0x2], $0x80, s24, s19, $0xb8;
	[tilespmem:$0x1EF80] =	vst v63  }
0xbf: {  	_ =	swait.ge [sflag:s13], $0x2800  }
0xc0: {  	[sflag:s13] =	ssyncset.done $0x0  }
0xc1: {  	[sflag:s13] =	ssyncadd.s32 $0xFFFFD800  }
0xc2: {  	[bflag:$0x0] =	sbarrier.arrive $0xFFFF  }
0xc3: {  	[hbm:s10], [sflag:s16] =	dma.local [spmem:s17], $0x2700  }
0xc4: {  	s22 =	sadd.s32 $0x1, s22;
	_ =	swait.ge [sflag:s13], $0x2700  }
0xc5: {  	p1 =	sne.s32 s22, s12;
	[sflag:s13] =	ssyncset.done $0x0  }
.Ltmp2:
0xc6: {  	s23 =	simm.s32 @!p0 $0x2;
	[sflag:s13] =	ssyncadd.s32 $0xFFFFD900;
	(pc) =	sbr.rel @p1 .LBB2_1-.Ltmp2, $4  }
0xc7: {  	[hbm:s11], [sflag:s16] =	dma.local @!p0 [spmem:s18], $0x100  }
0xc8: {  	_ =	swait.ge @!p0 [sflag:s23], $0x100  }
0xc9: {  	[sflag:s23] =	ssyncset.done @!p0 $0x0  }
0xca: {  	[sflag:s23] =	ssyncadd.s32 @!p0 $0xFFFFFF00  }
0xcb: {  	_ =	sfence.sel $0x180000  }
0xcc: {  	[bflag:$0x0] =	sbarrier.arrive $0xFFFF  }
0xcd: {  	p0 =	sne.s32 s0, $0x0;
	_ =	strace $0x90000047  }
0xce: {  	s0 =	sadd.s32 @!p0 $0x100000, s2;
	[bflag:$0x2] =	sbarrier.arrive $0xFFFF  }
0xcf: {  	[sflag:s0] =	ssyncadd.tile.s32 @!p0 $0x1;
	_ =	shalt  }
.Lfunc_end2:
_tile_overlayer_lowered:
.L_overlay_start_2:
0xd0: {  	(tag) =	ssettag $0x2  }
0xd1: {  	s0 =	rddreg [dreg:$0x0];
	s2 =	stileid.u32  }
0xd2: {  	s1 =	rddreg [dreg:$0x1];
	p0 =	sne.s32 s2, $0x0  }
0xd3: {  	s3 =	rddreg [dreg:$0x2];
	[bflag:$0x3] =	sbarrier.arrive $0xFFFF;
	s2 =	simm.s32 @!p0 $0x1C02  }
0xd4: {  	[timem:s3], [sflag:s2] =	dma.local @!p0 [hbm:s0], s1  }
0xd5: {  	s0 =	simm.s32 @!p0 $0x2  }
0xd6: {  	_ =	swait.ge @!p0 [sflag:s0], s1  }
0xd7: {  	s1 =	ssub.s32 @!p0 $0x0, s1;
	[sflag:s0] =	ssyncset.done @!p0 $0x0  }
0xd8: {  	[sflag:s0] =	ssyncadd.s32 @!p0 s1  }
0xd9: {  	[bflag:$0x3] =	sbarrier.arrive $0xFFFF  }
0xda: {  	_ =	shalt  }

</sc_bundles>
